<compile_context>
chip_gen: v7x
topology: tpu7x:2x2x1
jax: 0.10.2.dev20260603
libtpu: 0.0.44.dev20260713+nightly
codegen_flags: <defaults>
</compile_context>

<pallas_src>
import functools

import jax
import jax.numpy as jnp
from jax import lax
from jax.experimental import pallas as pl
from jax.experimental.pallas import tpu as pltpu
from jax.experimental.pallas import tpu_sc as plsc

_KC = 4096
_HI = jax.lax.Precision.HIGHEST


def _table_body(embed_ref, wd_ref, cb_ref, cn_ref, wup_ref,
                outt_ref, side_ref, *, depth, k, kc):
    vp = embed_ref.shape[0]
    dc = wd_ref.shape[1]
    side_ref[...] = jnp.zeros(side_ref.shape, jnp.int32)

    z = jax.lax.dot_general(embed_ref[...], wd_ref[...],
                            (((1,), (0,)), ((), ())),
                            preferred_element_type=jnp.float32)
    r = z
    q = jnp.zeros_like(z)
    nchunks = k // kc
    for s in range(depth):
        rr = jnp.sum(r * r, axis=1, keepdims=True)

        def p1(i, carry, s=s, r=r, rr=rr):
            bestv, besti = carry
            cb_c = cb_ref[pl.ds(s * k + i * kc, kc), :]
            cn_c = cn_ref[pl.ds(s, 1), pl.ds(i * kc, kc)]
            m = jax.lax.dot_general(r, cb_c, (((1,), (1,)), ((), ())),
                                    preferred_element_type=jnp.float32)
            part = (rr - 2.0 * m) + cn_c
            mv = jnp.min(part, axis=1, keepdims=True)
            iota_c = jax.lax.broadcasted_iota(jnp.int32, (vp, kc), 1)
            li = jnp.min(jnp.where(part == mv, iota_c, kc), axis=1,
                         keepdims=True)
            gi = li + i * kc
            take = mv < bestv
            return (jnp.where(take, mv, bestv), jnp.where(take, gi, besti))

        bestv0 = jnp.full((vp, 1), jnp.inf, jnp.float32)
        besti0 = jnp.zeros((vp, 1), jnp.int32)
        _, besti = jax.lax.fori_loop(0, nchunks, p1, (bestv0, besti0))

        def p2(i, sel, s=s, besti=besti):
            cb_c = cb_ref[pl.ds(s * k + i * kc, kc), :]
            iota_c = jax.lax.broadcasted_iota(jnp.int32, (vp, kc), 1) + i * kc
            oh = jnp.where(iota_c == besti, 1.0, 0.0)
            return sel + jax.lax.dot_general(
                oh, cb_c, (((1,), (0,)), ((), ())),
                preferred_element_type=jnp.float32, precision=_HI)

        sel = jax.lax.fori_loop(0, nchunks, p2,
                                jnp.zeros((vp, dc), jnp.float32))
        q = q + sel
        r = r - sel
        side_ref[:, s:s + 1] = besti

    q_st = z + (q - z)
    outt_ref[pl.ds(0, vp), :] = jax.lax.dot_general(
        q_st, wup_ref[...], (((1,), (0,)), ((), ())),
        preferred_element_type=jnp.float32)
    outt_ref[pl.ds(vp, 8), :] = jnp.zeros((8, outt_ref.shape[1]), jnp.float32)
    zq = z - q
    rsq = jnp.sum(zq * zq, axis=1, keepdims=True)
    side_ref[:, depth:depth + 1] = jax.lax.bitcast_convert_type(rsq, jnp.int32)


def _loss_body(mrows_ref, loss_ref, *, depth, n_tok, dc):
    rsq = jax.lax.bitcast_convert_type(mrows_ref[:, depth:depth + 1],
                                       jnp.float32)
    loss = jnp.sum(rsq) * (1.25 / (n_tok * dc))
    loss_ref[...] = jnp.broadcast_to(loss, (1, 1))


def kernel(token_ids, key_padding_mask, embed, W_down, W_up, codebooks):
    b, s_len = token_ids.shape
    v, d = embed.shape
    depth, k, dc = codebooks.shape
    n = b * s_len
    vp = ((v + 7) // 8) * 8
    f32 = jnp.float32

    embed_pad = embed if vp == v else jnp.concatenate(
        [embed, jnp.zeros((vp - v, d), f32)], axis=0)
    cb2 = codebooks.reshape(depth * k, dc)
    cn = jnp.sum(codebooks * codebooks, axis=-1)

    outt, side = pl.pallas_call(
        functools.partial(_table_body, depth=depth, k=k, kc=_KC),
        out_shape=(jax.ShapeDtypeStruct((vp + 8, d), f32),
                   jax.ShapeDtypeStruct((vp, 128), jnp.int32)),
    )(embed_pad, W_down, cb2, cn, W_up)

    tid_flat = token_ids.reshape(n)
    tid_eff = jnp.where(key_padding_mask.reshape(n), vp, tid_flat)

    info = plsc.get_sparse_core_info()
    nc, ns = info.num_cores, info.num_subcores
    nw = nc * ns
    b_per_w = n // nw
    rows_chunk = min(b_per_w, 64)
    nchunks_sc = b_per_w // rows_chunk

    mesh = plsc.VectorSubcoreMesh(core_axis_name="c", subcore_axis_name="s")
    nbuf = min(3, nchunks_sc)

    mchunk = min(b_per_w, 128)
    nmchunks = b_per_w // mchunk

    @functools.partial(
        pl.kernel, mesh=mesh,
        out_type=(jax.ShapeDtypeStruct((n, d), f32),
                  jax.ShapeDtypeStruct((n, 128), jnp.int32)),
        scratch_types=(
            [pltpu.VMEM((b_per_w,), jnp.int32),
             pltpu.VMEM((b_per_w,), jnp.int32),
             pltpu.VMEM((mchunk, 128), jnp.int32)]
            + [pltpu.VMEM((rows_chunk, d), f32)] * nbuf
            + [pltpu.SemaphoreType.DMA] * (2 * nbuf + 1)
        ),
    )
    def _sc_gather(outt_hbm, side_hbm, tide_hbm, tid_hbm, rows_hbm, side_out,
                   idx_v, idxm_v, mrows_v, *bufs_sems):
        row_bufs = bufs_sems[:nbuf]
        gsems = bufs_sems[nbuf:2 * nbuf]
        ssems = bufs_sems[2 * nbuf:3 * nbuf]
        msem = bufs_sems[3 * nbuf]
        wid = lax.axis_index("s") * nc + lax.axis_index("c")
        base = wid * b_per_w
        pltpu.sync_copy(tide_hbm.at[pl.ds(base, b_per_w)], idx_v)
        pltpu.sync_copy(tid_hbm.at[pl.ds(base, b_per_w)], idxm_v)

        def gidx(c):
            return idx_v.at[pl.ds(c * rows_chunk, rows_chunk)]

        def dst(c):
            return rows_hbm.at[pl.ds(base + c * rows_chunk, rows_chunk)]

        for c in range(nbuf):
            pltpu.async_copy(outt_hbm.at[gidx(c)], row_bufs[c], gsems[c])
        for c in range(nmchunks):
            moff = base + c * mchunk
            pltpu.async_copy(
                side_hbm.at[idxm_v.at[pl.ds(c * mchunk, mchunk)]],
                mrows_v, msem).wait()
            pltpu.sync_copy(mrows_v, side_out.at[pl.ds(moff, mchunk)])
        for c in range(nchunks_sc):
            bi = c % nbuf
            pltpu.make_async_copy(outt_hbm.at[gidx(c)], row_bufs[bi],
                                  gsems[bi]).wait()
            pltpu.async_copy(row_bufs[bi], dst(c), ssems[bi])
            nxt = c + nbuf
            if nxt < nchunks_sc:
                pltpu.make_async_copy(row_bufs[bi], dst(c), ssems[bi]).wait()
                pltpu.async_copy(outt_hbm.at[gidx(nxt)], row_bufs[bi],
                                 gsems[bi])
        for c in range(max(0, nchunks_sc - nbuf), nchunks_sc):
            bi = c % nbuf
            pltpu.make_async_copy(row_bufs[bi], dst(c), ssems[bi]).wait()

    out, omisc = _sc_gather(outt, side, tid_eff, tid_flat)

    loss = pl.pallas_call(
        functools.partial(_loss_body, depth=depth, n_tok=n, dc=dc),
        out_shape=jax.ShapeDtypeStruct((1, 1), f32),
    )(omisc)

    idx = omisc[:, :depth].T.reshape(depth, b, s_len)
    return (out.reshape(b, s_len, d), idx, loss[0, 0])

# --- scband reference (transcript-rebuilt; emitter-appended) ---
"""Pipeline reference for scband-abstractinator-55989193671336 (READ-ONLY COPY).

The authoritative reference and input builder live on the scoring server;
editing this copy changes nothing except your own understanding.
"""

import jax, jax.numpy as jnp
import numpy as np

B, S = 4, 2048
VOCAB = 260
D = 512
D_C = 32
K = 8192
DEPTH = 4
BETA = 0.25


def setup_inputs(seed: int = 0) -> dict:
    key = jax.random.key(seed)
    k1, k2, k3, k4, k5 = jax.random.split(key, 5)
    token_ids = jax.random.randint(k1, (B, S), 0, 256)
    key_padding_mask = jnp.zeros((B, S), dtype=bool)
    embed = jax.random.normal(k2, (VOCAB, D), dtype=jnp.float32) * 0.02
    W_down = jax.random.normal(k3, (D, D_C), dtype=jnp.float32) / np.sqrt(D)
    W_up = jax.random.normal(k4, (D_C, D), dtype=jnp.float32) / np.sqrt(D_C)
    codebooks = jax.random.normal(k5, (DEPTH, K, D_C), dtype=jnp.float32)
    return {"token_ids": token_ids, "key_padding_mask": key_padding_mask,
            "embed": embed, "W_down": W_down, "W_up": W_up, "codebooks": codebooks}


def _msrvq(z, codebooks):
    # Multi-stage residual VQ: at each stage, nearest-code lookup on the residual.
    residual = z
    q = jnp.zeros_like(z)
    idxs = []
    for s in range(codebooks.shape[0]):
        cb = codebooks[s]  # (K, d_c)
        d2 = (jnp.sum(residual * residual, axis=-1, keepdims=True)
              - 2.0 * (residual @ cb.T)
              + jnp.sum(cb * cb, axis=-1)[None, None, :])  # (B, S, K)
        idx = jnp.argmin(d2, axis=-1)  # (B, S)
        sel = jnp.take(cb, idx, axis=0)  # gather codebook rows
        q = q + sel
        residual = residual - sel
        idxs.append(idx)
    return q, jnp.stack(idxs, axis=0)  # (B,S,d_c), (DEPTH,B,S)


def _forward(token_ids, key_padding_mask, embed, W_down, W_up, codebooks):
    h = jnp.take(embed, token_ids, axis=0)       # byte embedding lookup (B,S,D)
    z = h @ W_down                                # down-project to code space (B,S,d_c)
    q, indices = _msrvq(z, codebooks)
    q_st = z + jax.lax.stop_gradient(q - z)       # straight-through estimator
    vq_loss = BETA * jnp.mean((z - jax.lax.stop_gradient(q)) ** 2) \
              + jnp.mean((jax.lax.stop_gradient(z) - q) ** 2)
    out = q_st @ W_up                             # up-project back to model dim (B,S,D)
    mask = (~key_padding_mask)[..., None].astype(out.dtype)
    out = out * mask
    return out, indices, vq_loss


def reference(token_ids, key_padding_mask, embed, W_down, W_up, codebooks):
    return _forward(token_ids, key_padding_mask, embed, W_down, W_up, codebooks)

if __name__ == "__main__":
    import jax
    _d = setup_inputs()
    print(jax.jit(kernel)(*tuple(_d.values())))

</pallas_src>

<mosaic_0001>
#map = affine_map<(d0, d1) -> (0, 0)>
#map1 = affine_map<(d0, d1) -> (0)>
module attributes {stable_mosaic.version = 14 : i64} {
  func.func @_sc_gather(%arg0: i32, %arg1: i32, %arg2: memref<272x512xf32, #tpu.memory_space<hbm>>, %arg3: memref<264x128xi32, #tpu.memory_space<hbm>>, %arg4: memref<8192xi32, #tpu.memory_space<hbm>>, %arg5: memref<8192xi32, #tpu.memory_space<hbm>>, %arg6: memref<8192x512xf32, #tpu.memory_space<hbm>>, %arg7: memref<8192x128xi32, #tpu.memory_space<hbm>>, %arg8: memref<256xi32, #tpu.memory_space<vmem>>, %arg9: memref<256xi32, #tpu.memory_space<vmem>>, %arg10: memref<128x128xi32, #tpu.memory_space<vmem>>, %arg11: memref<64x512xf32, #tpu.memory_space<vmem>>, %arg12: memref<64x512xf32, #tpu.memory_space<vmem>>, %arg13: memref<64x512xf32, #tpu.memory_space<vmem>>, %arg14: memref<!tpu.dma_semaphore, #tpu.memory_space<semaphore_mem>>, %arg15: memref<!tpu.dma_semaphore, #tpu.memory_space<semaphore_mem>>, %arg16: memref<!tpu.dma_semaphore, #tpu.memory_space<semaphore_mem>>, %arg17: memref<!tpu.dma_semaphore, #tpu.memory_space<semaphore_mem>>, %arg18: memref<!tpu.dma_semaphore, #tpu.memory_space<semaphore_mem>>, %arg19: memref<!tpu.dma_semaphore, #tpu.memory_space<semaphore_mem>>, %arg20: memref<!tpu.dma_semaphore, #tpu.memory_space<semaphore_mem>>) attributes {dimension_semantics = [#tpu.dimension_semantics<core_parallel>, #tpu.dimension_semantics<subcore_parallel>], iteration_bounds = array<i64: 2, 16>, scalar_prefetch = 0 : i64, scratch_operands = 13 : i64, tpu.core_type = #tpu.core_type<sc_vector_subcore>, window_params = [{transform_indices = #map}, {transform_indices = #map}, {transform_indices = #map1}, {transform_indices = #map1}, {transform_indices = #map}, {transform_indices = #map}]} {
    %mul3A = arith.constant 2 : i32
    %mul3A_0 = arith.muli %arg1, %mul3A : i32
    %add3A = arith.addi %mul3A_0, %arg0 : i32
    %mul3A_1 = arith.constant 256 : i32
    %mul3A_2 = arith.muli %add3A, %mul3A_1 : i32
    "tpu.region"() ({
      %run_scoped3A = tpu.sem_alloc : memref<!tpu.dma_semaphore, #tpu.memory_space<semaphore_mem>>
      %dma_start3A_113 = tpu.memref_slice %arg4[%mul3A_2] : memref<8192xi32, #tpu.memory_space<hbm>> -> memref<256xi32, #tpu.memory_space<hbm>>
      %dma_start3A_114 = tpu.memref_slice %arg4[%mul3A_2] : memref<8192xi32, #tpu.memory_space<hbm>> -> memref<256xi32, #tpu.memory_space<hbm>>
      tpu.enqueue_dma source(%dma_start3A_114 : memref<256xi32, #tpu.memory_space<hbm>>) target(%arg8 : memref<256xi32, #tpu.memory_space<vmem>>) target_semaphore(%run_scoped3A : memref<!tpu.dma_semaphore, #tpu.memory_space<semaphore_mem>>)
      %dma_wait3A_115 = tpu.memref_slice %arg4[%mul3A_2] : memref<8192xi32, #tpu.memory_space<hbm>> -> memref<256xi32, #tpu.memory_space<hbm>>
      %dma_wait3A_116 = tpu.memref_slice %arg4[%mul3A_2] : memref<8192xi32, #tpu.memory_space<hbm>> -> memref<256xi32, #tpu.memory_space<hbm>>
      tpu.wait_dma2 semaphore(%run_scoped3A : memref<!tpu.dma_semaphore, #tpu.memory_space<semaphore_mem>>) src(%dma_wait3A_116 : memref<256xi32, #tpu.memory_space<hbm>>) dst(%arg8 : memref<256xi32, #tpu.memory_space<vmem>>)
      tpu.yield
    }) : () -> ()
    "tpu.region"() ({
      %run_scoped3A = tpu.sem_alloc : memref<!tpu.dma_semaphore, #tpu.memory_space<semaphore_mem>>
      %dma_start3A_113 = tpu.memref_slice %arg5[%mul3A_2] : memref<8192xi32, #tpu.memory_space<hbm>> -> memref<256xi32, #tpu.memory_space<hbm>>
      %dma_start3A_114 = tpu.memref_slice %arg5[%mul3A_2] : memref<8192xi32, #tpu.memory_space<hbm>> -> memref<256xi32, #tpu.memory_space<hbm>>
      tpu.enqueue_dma source(%dma_start3A_114 : memref<256xi32, #tpu.memory_space<hbm>>) target(%arg9 : memref<256xi32, #tpu.memory_space<vmem>>) target_semaphore(%run_scoped3A : memref<!tpu.dma_semaphore, #tpu.memory_space<semaphore_mem>>)
      %dma_wait3A_115 = tpu.memref_slice %arg5[%mul3A_2] : memref<8192xi32, #tpu.memory_space<hbm>> -> memref<256xi32, #tpu.memory_space<hbm>>
      %dma_wait3A_116 = tpu.memref_slice %arg5[%mul3A_2] : memref<8192xi32, #tpu.memory_space<hbm>> -> memref<256xi32, #tpu.memory_space<hbm>>
      tpu.wait_dma2 semaphore(%run_scoped3A : memref<!tpu.dma_semaphore, #tpu.memory_space<semaphore_mem>>) src(%dma_wait3A_116 : memref<256xi32, #tpu.memory_space<hbm>>) dst(%arg9 : memref<256xi32, #tpu.memory_space<vmem>>)
      tpu.yield
    }) : () -> ()
    %dma_start3A = arith.constant 0 : i32
    %dma_start3A_3 = tpu.memref_slice %arg8[%dma_start3A] : memref<256xi32, #tpu.memory_space<vmem>> -> memref<64xi32, #tpu.memory_space<vmem>>
    %dma_start3A_4 = arith.constant 0 : i32
    %dma_start3A_5 = arith.constant 0 : i32
    %dma_start3A_6 = tpu.memref_slice %arg2[%dma_start3A_4, %dma_start3A_5] : memref<272x512xf32, #tpu.memory_space<hbm>> -> memref<272x512xf32, #tpu.memory_space<hbm>>
    tpu.enqueue_indirect_dma source(%dma_start3A_6 : memref<272x512xf32, #tpu.memory_space<hbm>>) target(%arg11 : memref<64x512xf32, #tpu.memory_space<vmem>>) offsets(%dma_start3A_3 : memref<64xi32, #tpu.memory_space<vmem>>) semaphore(%arg14 : memref<!tpu.dma_semaphore, #tpu.memory_space<semaphore_mem>>)
    %dma_start3A_7 = arith.constant 64 : i32
    %dma_start3A_8 = tpu.memref_slice %arg8[%dma_start3A_7] : memref<256xi32, #tpu.memory_space<vmem>> -> memref<64xi32, #tpu.memory_space<vmem>>
    %dma_start3A_9 = arith.constant 0 : i32
    %dma_start3A_10 = arith.constant 0 : i32
    %dma_start3A_11 = tpu.memref_slice %arg2[%dma_start3A_9, %dma_start3A_10] : memref<272x512xf32, #tpu.memory_space<hbm>> -> memref<272x512xf32, #tpu.memory_space<hbm>>
    tpu.enqueue_indirect_dma source(%dma_start3A_11 : memref<272x512xf32, #tpu.memory_space<hbm>>) target(%arg12 : memref<64x512xf32, #tpu.memory_space<vmem>>) offsets(%dma_start3A_8 : memref<64xi32, #tpu.memory_space<vmem>>) semaphore(%arg15 : memref<!tpu.dma_semaphore, #tpu.memory_space<semaphore_mem>>)
    %dma_start3A_12 = arith.constant 128 : i32
    %dma_start3A_13 = tpu.memref_slice %arg8[%dma_start3A_12] : memref<256xi32, #tpu.memory_space<vmem>> -> memref<64xi32, #tpu.memory_space<vmem>>
    %dma_start3A_14 = arith.constant 0 : i32
    %dma_start3A_15 = arith.constant 0 : i32
    %dma_start3A_16 = tpu.memref_slice %arg2[%dma_start3A_14, %dma_start3A_15] : memref<272x512xf32, #tpu.memory_space<hbm>> -> memref<272x512xf32, #tpu.memory_space<hbm>>
    tpu.enqueue_indirect_dma source(%dma_start3A_16 : memref<272x512xf32, #tpu.memory_space<hbm>>) target(%arg13 : memref<64x512xf32, #tpu.memory_space<vmem>>) offsets(%dma_start3A_13 : memref<64xi32, #tpu.memory_space<vmem>>) semaphore(%arg16 : memref<!tpu.dma_semaphore, #tpu.memory_space<semaphore_mem>>)
    %add3A_17 = arith.constant 0 : i32
    %add3A_18 = arith.addi %mul3A_2, %add3A_17 : i32
    %dma_start3A_19 = arith.constant 0 : i32
    %dma_start3A_20 = tpu.memref_slice %arg9[%dma_start3A_19] : memref<256xi32, #tpu.memory_space<vmem>> -> memref<128xi32, #tpu.memory_space<vmem>>
    %dma_start3A_21 = arith.constant 0 : i32
    %dma_start3A_22 = arith.constant 0 : i32
    %dma_start3A_23 = tpu.memref_slice %arg3[%dma_start3A_21, %dma_start3A_22] : memref<264x128xi32, #tpu.memory_space<hbm>> -> memref<264x128xi32, #tpu.memory_space<hbm>>
    tpu.enqueue_indirect_dma source(%dma_start3A_23 : memref<264x128xi32, #tpu.memory_space<hbm>>) target(%arg10 : memref<128x128xi32, #tpu.memory_space<vmem>>) offsets(%dma_start3A_20 : memref<128xi32, #tpu.memory_space<vmem>>) semaphore(%arg20 : memref<!tpu.dma_semaphore, #tpu.memory_space<semaphore_mem>>)
    %dma_wait3A = arith.constant 0 : i32
    %dma_wait3A_24 = tpu.memref_slice %arg9[%dma_wait3A] : memref<256xi32, #tpu.memory_space<vmem>> -> memref<128xi32, #tpu.memory_space<vmem>>
    %dma_wait3A_25 = arith.constant 0 : i32
    %dma_wait3A_26 = arith.constant 0 : i32
    %dma_wait3A_27 = tpu.memref_slice %arg3[%dma_wait3A_25, %dma_wait3A_26] : memref<264x128xi32, #tpu.memory_space<hbm>> -> memref<264x128xi32, #tpu.memory_space<hbm>>
    tpu.wait_indirect_dma semaphore(%arg20 : memref<!tpu.dma_semaphore, #tpu.memory_space<semaphore_mem>>) src(%dma_wait3A_27 : memref<264x128xi32, #tpu.memory_space<hbm>>) dst(%arg10 : memref<128x128xi32, #tpu.memory_space<vmem>>)
    "tpu.region"() ({
      %run_scoped3A = tpu.sem_alloc : memref<!tpu.dma_semaphore, #tpu.memory_space<semaphore_mem>>
      %dma_start3A_113 = arith.constant 0 : i32
      %dma_start3A_114 = tpu.memref_slice %arg7[%add3A_18, %dma_start3A_113] : memref<8192x128xi32, #tpu.memory_space<hbm>> -> memref<128x128xi32, #tpu.memory_space<hbm>>
      %dma_start3A_115 = arith.constant 0 : i32
      %dma_start3A_116 = tpu.memref_slice %arg7[%add3A_18, %dma_start3A_115] : memref<8192x128xi32, #tpu.memory_space<hbm>> -> memref<128x128xi32, #tpu.memory_space<hbm>>
      tpu.enqueue_dma source(%arg10 : memref<128x128xi32, #tpu.memory_space<vmem>>) target(%dma_start3A_116 : memref<128x128xi32, #tpu.memory_space<hbm>>) target_semaphore(%run_scoped3A : memref<!tpu.dma_semaphore, #tpu.memory_space<semaphore_mem>>)
      %dma_wait3A_117 = arith.constant 0 : i32
      %dma_wait3A_118 = tpu.memref_slice %arg7[%add3A_18, %dma_wait3A_117] : memref<8192x128xi32, #tpu.memory_space<hbm>> -> memref<128x128xi32, #tpu.memory_space<hbm>>
      %dma_wait3A_119 = arith.constant 0 : i32
      %dma_wait3A_120 = tpu.memref_slice %arg7[%add3A_18, %dma_wait3A_119] : memref<8192x128xi32, #tpu.memory_space<hbm>> -> memref<128x128xi32, #tpu.memory_space<hbm>>
      tpu.wait_dma2 semaphore(%run_scoped3A : memref<!tpu.dma_semaphore, #tpu.memory_space<semaphore_mem>>) src(%arg10 : memref<128x128xi32, #tpu.memory_space<vmem>>) dst(%dma_wait3A_120 : memref<128x128xi32, #tpu.memory_space<hbm>>)
      tpu.yield
    }) : () -> ()
    %add3A_28 = arith.constant 128 : i32
    %add3A_29 = arith.addi %mul3A_2, %add3A_28 : i32
    %dma_start3A_30 = arith.constant 128 : i32
    %dma_start3A_31 = tpu.memref_slice %arg9[%dma_start3A_30] : memref<256xi32, #tpu.memory_space<vmem>> -> memref<128xi32, #tpu.memory_space<vmem>>
    %dma_start3A_32 = arith.constant 0 : i32
    %dma_start3A_33 = arith.constant 0 : i32
    %dma_start3A_34 = tpu.memref_slice %arg3[%dma_start3A_32, %dma_start3A_33] : memref<264x128xi32, #tpu.memory_space<hbm>> -> memref<264x128xi32, #tpu.memory_space<hbm>>
    tpu.enqueue_indirect_dma source(%dma_start3A_34 : memref<264x128xi32, #tpu.memory_space<hbm>>) target(%arg10 : memref<128x128xi32, #tpu.memory_space<vmem>>) offsets(%dma_start3A_31 : memref<128xi32, #tpu.memory_space<vmem>>) semaphore(%arg20 : memref<!tpu.dma_semaphore, #tpu.memory_space<semaphore_mem>>)
    %dma_wait3A_35 = arith.constant 128 : i32
    %dma_wait3A_36 = tpu.memref_slice %arg9[%dma_wait3A_35] : memref<256xi32, #tpu.memory_space<vmem>> -> memref<128xi32, #tpu.memory_space<vmem>>
    %dma_wait3A_37 = arith.constant 0 : i32
    %dma_wait3A_38 = arith.constant 0 : i32
    %dma_wait3A_39 = tpu.memref_slice %arg3[%dma_wait3A_37, %dma_wait3A_38] : memref<264x128xi32, #tpu.memory_space<hbm>> -> memref<264x128xi32, #tpu.memory_space<hbm>>
    tpu.wait_indirect_dma semaphore(%arg20 : memref<!tpu.dma_semaphore, #tpu.memory_space<semaphore_mem>>) src(%dma_wait3A_39 : memref<264x128xi32, #tpu.memory_space<hbm>>) dst(%arg10 : memref<128x128xi32, #tpu.memory_space<vmem>>)
    "tpu.region"() ({
      %run_scoped3A = tpu.sem_alloc : memref<!tpu.dma_semaphore, #tpu.memory_space<semaphore_mem>>
      %dma_start3A_113 = arith.constant 0 : i32
      %dma_start3A_114 = tpu.memref_slice %arg7[%add3A_29, %dma_start3A_113] : memref<8192x128xi32, #tpu.memory_space<hbm>> -> memref<128x128xi32, #tpu.memory_space<hbm>>
      %dma_start3A_115 = arith.constant 0 : i32
      %dma_start3A_116 = tpu.memref_slice %arg7[%add3A_29, %dma_start3A_115] : memref<8192x128xi32, #tpu.memory_space<hbm>> -> memref<128x128xi32, #tpu.memory_space<hbm>>
      tpu.enqueue_dma source(%arg10 : memref<128x128xi32, #tpu.memory_space<vmem>>) target(%dma_start3A_116 : memref<128x128xi32, #tpu.memory_space<hbm>>) target_semaphore(%run_scoped3A : memref<!tpu.dma_semaphore, #tpu.memory_space<semaphore_mem>>)
      %dma_wait3A_117 = arith.constant 0 : i32
      %dma_wait3A_118 = tpu.memref_slice %arg7[%add3A_29, %dma_wait3A_117] : memref<8192x128xi32, #tpu.memory_space<hbm>> -> memref<128x128xi32, #tpu.memory_space<hbm>>
      %dma_wait3A_119 = arith.constant 0 : i32
      %dma_wait3A_120 = tpu.memref_slice %arg7[%add3A_29, %dma_wait3A_119] : memref<8192x128xi32, #tpu.memory_space<hbm>> -> memref<128x128xi32, #tpu.memory_space<hbm>>
      tpu.wait_dma2 semaphore(%run_scoped3A : memref<!tpu.dma_semaphore, #tpu.memory_space<semaphore_mem>>) src(%arg10 : memref<128x128xi32, #tpu.memory_space<vmem>>) dst(%dma_wait3A_120 : memref<128x128xi32, #tpu.memory_space<hbm>>)
      tpu.yield
    }) : () -> ()
    %dma_wait3A_40 = arith.constant 0 : i32
    %dma_wait3A_41 = tpu.memref_slice %arg8[%dma_wait3A_40] : memref<256xi32, #tpu.memory_space<vmem>> -> memref<64xi32, #tpu.memory_space<vmem>>
    %dma_wait3A_42 = arith.constant 0 : i32
    %dma_wait3A_43 = arith.constant 0 : i32
    %dma_wait3A_44 = tpu.memref_slice %arg2[%dma_wait3A_42, %dma_wait3A_43] : memref<272x512xf32, #tpu.memory_space<hbm>> -> memref<272x512xf32, #tpu.memory_space<hbm>>
    tpu.wait_indirect_dma semaphore(%arg14 : memref<!tpu.dma_semaphore, #tpu.memory_space<semaphore_mem>>) src(%dma_wait3A_44 : memref<272x512xf32, #tpu.memory_space<hbm>>) dst(%arg11 : memref<64x512xf32, #tpu.memory_space<vmem>>)
    %add3A_45 = arith.constant 0 : i32
    %add3A_46 = arith.addi %mul3A_2, %add3A_45 : i32
    %dma_start3A_47 = arith.constant 0 : i32
    %dma_start3A_48 = tpu.memref_slice %arg6[%add3A_46, %dma_start3A_47] : memref<8192x512xf32, #tpu.memory_space<hbm>> -> memref<64x512xf32, #tpu.memory_space<hbm>>
    %dma_start3A_49 = arith.constant 0 : i32
    %dma_start3A_50 = tpu.memref_slice %arg6[%add3A_46, %dma_start3A_49] : memref<8192x512xf32, #tpu.memory_space<hbm>> -> memref<64x512xf32, #tpu.memory_space<hbm>>
    tpu.enqueue_dma source(%arg11 : memref<64x512xf32, #tpu.memory_space<vmem>>) target(%dma_start3A_50 : memref<64x512xf32, #tpu.memory_space<hbm>>) target_semaphore(%arg17 : memref<!tpu.dma_semaphore, #tpu.memory_space<semaphore_mem>>)
    %add3A_51 = arith.constant 0 : i32
    %add3A_52 = arith.addi %mul3A_2, %add3A_51 : i32
    %dma_wait3A_53 = arith.constant 0 : i32
    %dma_wait3A_54 = tpu.memref_slice %arg6[%add3A_52, %dma_wait3A_53] : memref<8192x512xf32, #tpu.memory_space<hbm>> -> memref<64x512xf32, #tpu.memory_space<hbm>>
    %dma_wait3A_55 = arith.constant 0 : i32
    %dma_wait3A_56 = tpu.memref_slice %arg6[%add3A_52, %dma_wait3A_55] : memref<8192x512xf32, #tpu.memory_space<hbm>> -> memref<64x512xf32, #tpu.memory_space<hbm>>
    tpu.wait_dma2 semaphore(%arg17 : memref<!tpu.dma_semaphore, #tpu.memory_space<semaphore_mem>>) src(%arg11 : memref<64x512xf32, #tpu.memory_space<vmem>>) dst(%dma_wait3A_56 : memref<64x512xf32, #tpu.memory_space<hbm>>)
    %dma_start3A_57 = arith.constant 192 : i32
    %dma_start3A_58 = tpu.memref_slice %arg8[%dma_start3A_57] : memref<256xi32, #tpu.memory_space<vmem>> -> memref<64xi32, #tpu.memory_space<vmem>>
    %dma_start3A_59 = arith.constant 0 : i32
    %dma_start3A_60 = arith.constant 0 : i32
    %dma_start3A_61 = tpu.memref_slice %arg2[%dma_start3A_59, %dma_start3A_60] : memref<272x512xf32, #tpu.memory_space<hbm>> -> memref<272x512xf32, #tpu.memory_space<hbm>>
    tpu.enqueue_indirect_dma source(%dma_start3A_61 : memref<272x512xf32, #tpu.memory_space<hbm>>) target(%arg11 : memref<64x512xf32, #tpu.memory_space<vmem>>) offsets(%dma_start3A_58 : memref<64xi32, #tpu.memory_space<vmem>>) semaphore(%arg14 : memref<!tpu.dma_semaphore, #tpu.memory_space<semaphore_mem>>)
    %dma_wait3A_62 = arith.constant 64 : i32
    %dma_wait3A_63 = tpu.memref_slice %arg8[%dma_wait3A_62] : memref<256xi32, #tpu.memory_space<vmem>> -> memref<64xi32, #tpu.memory_space<vmem>>
    %dma_wait3A_64 = arith.constant 0 : i32
    %dma_wait3A_65 = arith.constant 0 : i32
    %dma_wait3A_66 = tpu.memref_slice %arg2[%dma_wait3A_64, %dma_wait3A_65] : memref<272x512xf32, #tpu.memory_space<hbm>> -> memref<272x512xf32, #tpu.memory_space<hbm>>
    tpu.wait_indirect_dma semaphore(%arg15 : memref<!tpu.dma_semaphore, #tpu.memory_space<semaphore_mem>>) src(%dma_wait3A_66 : memref<272x512xf32, #tpu.memory_space<hbm>>) dst(%arg12 : memref<64x512xf32, #tpu.memory_space<vmem>>)
    %add3A_67 = arith.constant 64 : i32
    %add3A_68 = arith.addi %mul3A_2, %add3A_67 : i32
    %dma_start3A_69 = arith.constant 0 : i32
    %dma_start3A_70 = tpu.memref_slice %arg6[%add3A_68, %dma_start3A_69] : memref<8192x512xf32, #tpu.memory_space<hbm>> -> memref<64x512xf32, #tpu.memory_space<hbm>>
    %dma_start3A_71 = arith.constant 0 : i32
    %dma_start3A_72 = tpu.memref_slice %arg6[%add3A_68, %dma_start3A_71] : memref<8192x512xf32, #tpu.memory_space<hbm>> -> memref<64x512xf32, #tpu.memory_space<hbm>>
    tpu.enqueue_dma source(%arg12 : memref<64x512xf32, #tpu.memory_space<vmem>>) target(%dma_start3A_72 : memref<64x512xf32, #tpu.memory_space<hbm>>) target_semaphore(%arg18 : memref<!tpu.dma_semaphore, #tpu.memory_space<semaphore_mem>>)
    %dma_wait3A_73 = arith.constant 128 : i32
    %dma_wait3A_74 = tpu.memref_slice %arg8[%dma_wait3A_73] : memref<256xi32, #tpu.memory_space<vmem>> -> memref<64xi32, #tpu.memory_space<vmem>>
    %dma_wait3A_75 = arith.constant 0 : i32
    %dma_wait3A_76 = arith.constant 0 : i32
    %dma_wait3A_77 = tpu.memref_slice %arg2[%dma_wait3A_75, %dma_wait3A_76] : memref<272x512xf32, #tpu.memory_space<hbm>> -> memref<272x512xf32, #tpu.memory_space<hbm>>
    tpu.wait_indirect_dma semaphore(%arg16 : memref<!tpu.dma_semaphore, #tpu.memory_space<semaphore_mem>>) src(%dma_wait3A_77 : memref<272x512xf32, #tpu.memory_space<hbm>>) dst(%arg13 : memref<64x512xf32, #tpu.memory_space<vmem>>)
    %add3A_78 = arith.constant 128 : i32
    %add3A_79 = arith.addi %mul3A_2, %add3A_78 : i32
    %dma_start3A_80 = arith.constant 0 : i32
    %dma_start3A_81 = tpu.memref_slice %arg6[%add3A_79, %dma_start3A_80] : memref<8192x512xf32, #tpu.memory_space<hbm>> -> memref<64x512xf32, #tpu.memory_space<hbm>>
    %dma_start3A_82 = arith.constant 0 : i32
    %dma_start3A_83 = tpu.memref_slice %arg6[%add3A_79, %dma_start3A_82] : memref<8192x512xf32, #tpu.memory_space<hbm>> -> memref<64x512xf32, #tpu.memory_space<hbm>>
    tpu.enqueue_dma source(%arg13 : memref<64x512xf32, #tpu.memory_space<vmem>>) target(%dma_start3A_83 : memref<64x512xf32, #tpu.memory_space<hbm>>) target_semaphore(%arg19 : memref<!tpu.dma_semaphore, #tpu.memory_space<semaphore_mem>>)
    %dma_wait3A_84 = arith.constant 192 : i32
    %dma_wait3A_85 = tpu.memref_slice %arg8[%dma_wait3A_84] : memref<256xi32, #tpu.memory_space<vmem>> -> memref<64xi32, #tpu.memory_space<vmem>>
    %dma_wait3A_86 = arith.constant 0 : i32
    %dma_wait3A_87 = arith.constant 0 : i32
    %dma_wait3A_88 = tpu.memref_slice %arg2[%dma_wait3A_86, %dma_wait3A_87] : memref<272x512xf32, #tpu.memory_space<hbm>> -> memref<272x512xf32, #tpu.memory_space<hbm>>
    tpu.wait_indirect_dma semaphore(%arg14 : memref<!tpu.dma_semaphore, #tpu.memory_space<semaphore_mem>>) src(%dma_wait3A_88 : memref<272x512xf32, #tpu.memory_space<hbm>>) dst(%arg11 : memref<64x512xf32, #tpu.memory_space<vmem>>)
    %add3A_89 = arith.constant 192 : i32
    %add3A_90 = arith.addi %mul3A_2, %add3A_89 : i32
    %dma_start3A_91 = arith.constant 0 : i32
    %dma_start3A_92 = tpu.memref_slice %arg6[%add3A_90, %dma_start3A_91] : memref<8192x512xf32, #tpu.memory_space<hbm>> -> memref<64x512xf32, #tpu.memory_space<hbm>>
    %dma_start3A_93 = arith.constant 0 : i32
    %dma_start3A_94 = tpu.memref_slice %arg6[%add3A_90, %dma_start3A_93] : memref<8192x512xf32, #tpu.memory_space<hbm>> -> memref<64x512xf32, #tpu.memory_space<hbm>>
    tpu.enqueue_dma source(%arg11 : memref<64x512xf32, #tpu.memory_space<vmem>>) target(%dma_start3A_94 : memref<64x512xf32, #tpu.memory_space<hbm>>) target_semaphore(%arg17 : memref<!tpu.dma_semaphore, #tpu.memory_space<semaphore_mem>>)
    %add3A_95 = arith.constant 64 : i32
    %add3A_96 = arith.addi %mul3A_2, %add3A_95 : i32
    %dma_wait3A_97 = arith.constant 0 : i32
    %dma_wait3A_98 = tpu.memref_slice %arg6[%add3A_96, %dma_wait3A_97] : memref<8192x512xf32, #tpu.memory_space<hbm>> -> memref<64x512xf32, #tpu.memory_space<hbm>>
    %dma_wait3A_99 = arith.constant 0 : i32
    %dma_wait3A_100 = tpu.memref_slice %arg6[%add3A_96, %dma_wait3A_99] : memref<8192x512xf32, #tpu.memory_space<hbm>> -> memref<64x512xf32, #tpu.memory_space<hbm>>
    tpu.wait_dma2 semaphore(%arg18 : memref<!tpu.dma_semaphore, #tpu.memory_space<semaphore_mem>>) src(%arg12 : memref<64x512xf32, #tpu.memory_space<vmem>>) dst(%dma_wait3A_100 : memref<64x512xf32, #tpu.memory_space<hbm>>)
    %add3A_101 = arith.constant 128 : i32
    %add3A_102 = arith.addi %mul3A_2, %add3A_101 : i32
    %dma_wait3A_103 = arith.constant 0 : i32
    %dma_wait3A_104 = tpu.memref_slice %arg6[%add3A_102, %dma_wait3A_103] : memref<8192x512xf32, #tpu.memory_space<hbm>> -> memref<64x512xf32, #tpu.memory_space<hbm>>
    %dma_wait3A_105 = arith.constant 0 : i32
    %dma_wait3A_106 = tpu.memref_slice %arg6[%add3A_102, %dma_wait3A_105] : memref<8192x512xf32, #tpu.memory_space<hbm>> -> memref<64x512xf32, #tpu.memory_space<hbm>>
    tpu.wait_dma2 semaphore(%arg19 : memref<!tpu.dma_semaphore, #tpu.memory_space<semaphore_mem>>) src(%arg13 : memref<64x512xf32, #tpu.memory_space<vmem>>) dst(%dma_wait3A_106 : memref<64x512xf32, #tpu.memory_space<hbm>>)
    %add3A_107 = arith.constant 192 : i32
    %add3A_108 = arith.addi %mul3A_2, %add3A_107 : i32
    %dma_wait3A_109 = arith.constant 0 : i32
    %dma_wait3A_110 = tpu.memref_slice %arg6[%add3A_108, %dma_wait3A_109] : memref<8192x512xf32, #tpu.memory_space<hbm>> -> memref<64x512xf32, #tpu.memory_space<hbm>>
    %dma_wait3A_111 = arith.constant 0 : i32
    %dma_wait3A_112 = tpu.memref_slice %arg6[%add3A_108, %dma_wait3A_111] : memref<8192x512xf32, #tpu.memory_space<hbm>> -> memref<64x512xf32, #tpu.memory_space<hbm>>
    tpu.wait_dma2 semaphore(%arg17 : memref<!tpu.dma_semaphore, #tpu.memory_space<semaphore_mem>>) src(%arg11 : memref<64x512xf32, #tpu.memory_space<vmem>>) dst(%dma_wait3A_112 : memref<64x512xf32, #tpu.memory_space<hbm>>)
    return
  }
}

module attributes {stable_mosaic.version = 14 : i64} {
  func.func @_table_body(%arg0: memref<264x512xf32, #tpu.memory_space<vmem>>, %arg1: memref<512x32xf32, #tpu.memory_space<vmem>>, %arg2: memref<32768x32xf32, #tpu.memory_space<vmem>>, %arg3: memref<4x8192xf32, #tpu.memory_space<vmem>>, %arg4: memref<32x512xf32, #tpu.memory_space<vmem>>, %arg5: memref<272x512xf32, #tpu.memory_space<vmem>>, %arg6: memref<264x128xi32, #tpu.memory_space<vmem>>) attributes {dimension_semantics = [], scalar_prefetch = 0 : i64, scratch_operands = 0 : i64, tpu.core_type = #tpu.core_type<tc>} {
    %broadcast_in_dim3A = arith.constant 0 : i32
    %broadcast_in_dim3A_0 = vector.broadcast %broadcast_in_dim3A : i32 to vector<264x128xi32>
    %swap3A = arith.constant 0 : index
    %swap3A_1 = arith.constant 0 : index
    %swap3A_2 = vector.load %arg6[%swap3A, %swap3A_1] : memref<264x128xi32, #tpu.memory_space<vmem>>, vector<264x128xi32>
    tpu.vector_store %arg6[%swap3A, %swap3A_1], %broadcast_in_dim3A_0 {strides = array<i32>} : memref<264x128xi32, #tpu.memory_space<vmem>>, vector<264x128xi32>,
    %get3A = arith.constant 0 : index
    %get3A_3 = arith.constant 0 : index
    %get3A_4 = vector.load %arg0[%get3A, %get3A_3] : memref<264x512xf32, #tpu.memory_space<vmem>>, vector<264x512xf32>
    %get3A_5 = arith.constant 0 : index
    %get3A_6 = arith.constant 0 : index
    %get3A_7 = vector.load %arg1[%get3A_5, %get3A_6] : memref<512x32xf32, #tpu.memory_space<vmem>>, vector<512x32xf32>
    %dot_general3A = arith.constant dense<0.000000e+00> : vector<264x32xf32>
    %dot_general3A_8 = tpu.matmul %get3A_4, %get3A_7, %dot_general3A {dimension_numbers = #tpu.dot_dimension_numbers<[1], [0], [0], [1], [0, 0, 1, 1], [], []>, transpose_lhs_hint = false} : vector<264x512xf32>, vector<512x32xf32>, vector<264x32xf32> -> vector<264x32xf32>
    %broadcast_in_dim3A_9 = arith.constant 0.000000e+00 : f32
    %broadcast_in_dim3A_10 = vector.broadcast %broadcast_in_dim3A_9 : f32 to vector<264x32xf32>
    %mul3A = arith.mulf %dot_general3A_8, %dot_general3A_8 : vector<264x32xf32>
    %reduce_sum3A = arith.constant dense<0.000000e+00> : vector<264xf32>
    %reduce_sum3A_11 = vector.multi_reduction <add>, %mul3A, %reduce_sum3A [1] : vector<264x32xf32> to vector<264xf32>
    %broadcast_in_dim3A_12 = vector.shape_cast %reduce_sum3A_11 : vector<264xf32> to vector<264x1xf32>
    %broadcast_in_dim3A_13 = arith.constant 0x7F800000 : f32
    %broadcast_in_dim3A_14 = vector.broadcast %broadcast_in_dim3A_13 : f32 to vector<264x1xf32>
    %broadcast_in_dim3A_15 = arith.constant 0 : i32
    %broadcast_in_dim3A_16 = vector.broadcast %broadcast_in_dim3A_15 : i32 to vector<264x1xi32>
    %scan3A = arith.constant 0 : i32
    %scan3A_17 = arith.constant 2 : i32
    %scan3A_18 = arith.addi %scan3A, %scan3A_17 : i32
    %scan3A_19 = arith.constant 1 : i32
    %scan3A_20:2 = scf.for %scan3A_136 = %scan3A to %scan3A_18 step %scan3A_19 iter_args(%scan3A_137 = %broadcast_in_dim3A_14, %scan3A_138 = %broadcast_in_dim3A_16) -> (vector<264x1xf32>, vector<264x1xi32>)  : i32 {
      %mul3A_139 = arith.constant 4096 : i32
      %mul3A_140 = arith.muli %scan3A_136, %mul3A_139 : i32
      %add3A_141 = arith.constant 0 : i32
      %add3A_142 = arith.addi %add3A_141, %mul3A_140 : i32
      %get3A_143 = arith.index_cast %add3A_142 : i32 to index
      %get3A_144 = arith.constant 0 : index
      %get3A_145 = vector.load %arg2[%get3A_143, %get3A_144] : memref<32768x32xf32, #tpu.memory_space<vmem>>, vector<4096x32xf32>
      %mul3A_146 = arith.constant 4096 : i32
      %mul3A_147 = arith.muli %scan3A_136, %mul3A_146 : i32
      %get3A_148 = arith.constant 0 : index
      %get3A_149 = arith.index_cast %mul3A_147 : i32 to index
      %get3A_150 = vector.load %arg3[%get3A_148, %get3A_149] : memref<4x8192xf32, #tpu.memory_space<vmem>>, vector<1x4096xf32>
      %dot_general3A_151 = arith.constant dense<0.000000e+00> : vector<264x4096xf32>
      %dot_general3A_152 = tpu.matmul %dot_general3A_8, %get3A_145, %dot_general3A_151 {dimension_numbers = #tpu.dot_dimension_numbers<[1], [1], [0], [0], [0, 0, 1, 0], [], []>, transpose_lhs_hint = false} : vector<264x32xf32>, vector<4096x32xf32>, vector<264x4096xf32> -> vector<264x4096xf32>
      %mul3A_153 = arith.constant 2.000000e+00 : f32
      %mul3A_154 = vector.broadcast %mul3A_153 : f32 to vector<264x4096xf32>
      %mul3A_155 = arith.mulf %mul3A_154, %dot_general3A_152 : vector<264x4096xf32>
      %sub3A_156 = vector.broadcast %broadcast_in_dim3A_12 : vector<264x1xf32> to vector<264x4096xf32>
      %sub3A_157 = arith.subf %sub3A_156, %mul3A_155 : vector<264x4096xf32>
      %add3A_158 = vector.broadcast %get3A_150 : vector<1x4096xf32> to vector<264x4096xf32>
      %add3A_159 = arith.addf %sub3A_157, %add3A_158 : vector<264x4096xf32>
      %reduce_min3A = arith.constant dense<0x7F800000> : vector<264xf32>
      %reduce_min3A_160 = vector.multi_reduction <minimumf>, %add3A_159, %reduce_min3A [1] : vector<264x4096xf32> to vector<264xf32>
      %broadcast_in_dim3A_161 = vector.shape_cast %reduce_min3A_160 : vector<264xf32> to vector<264x1xf32>
      %iota3A = tpu.iota {dimensions = array<i32: 1>} : vector<264x4096xi32>
      %eq3A = vector.broadcast %broadcast_in_dim3A_161 : vector<264x1xf32> to vector<264x4096xf32>
      %eq3A_162 = arith.cmpf oeq, %add3A_159, %eq3A : vector<264x4096xf32>
      %jit3A = arith.constant 4096 : i32
      %broadcast_in_dim3A_163 = vector.broadcast %jit3A : i32 to vector<264x4096xi32>
      %select_n3A = arith.select %eq3A_162, %iota3A, %broadcast_in_dim3A_163 : vector<264x4096xi1>, vector<264x4096xi32>
      %reduce_min3A_164 = arith.constant dense<2147483647> : vector<264xi32>
      %reduce_min3A_165 = vector.multi_reduction <minsi>, %select_n3A, %reduce_min3A_164 [1] : vector<264x4096xi32> to vector<264xi32>
      %broadcast_in_dim3A_166 = vector.shape_cast %reduce_min3A_165 : vector<264xi32> to vector<264x1xi32>
      %mul3A_167 = arith.constant 4096 : i32
      %mul3A_168 = arith.muli %scan3A_136, %mul3A_167 : i32
      %add3A_169 = vector.broadcast %mul3A_168 : i32 to vector<264x1xi32>
      %add3A_170 = arith.addi %broadcast_in_dim3A_166, %add3A_169 : vector<264x1xi32>
      %lt3A = arith.cmpf olt, %broadcast_in_dim3A_161, %scan3A_137 : vector<264x1xf32>
      %select_n3A_171 = arith.select %lt3A, %broadcast_in_dim3A_161, %scan3A_137 : vector<264x1xi1>, vector<264x1xf32>
      %select_n3A_172 = arith.select %lt3A, %add3A_170, %scan3A_138 : vector<264x1xi1>, vector<264x1xi32>
      scf.yield %select_n3A_171, %select_n3A_172 : vector<264x1xf32>, vector<264x1xi32>
    }
    %scan3A_21 = arith.constant 2 : i32
    %broadcast_in_dim3A_22 = arith.constant 0.000000e+00 : f32
    %broadcast_in_dim3A_23 = vector.broadcast %broadcast_in_dim3A_22 : f32 to vector<264x32xf32>
    %scan3A_24 = arith.constant 0 : i32
    %scan3A_25 = arith.constant 2 : i32
    %scan3A_26 = arith.addi %scan3A_24, %scan3A_25 : i32
    %scan3A_27 = arith.constant 1 : i32
    %scan3A_28 = scf.for %scan3A_136 = %scan3A_24 to %scan3A_26 step %scan3A_27 iter_args(%scan3A_137 = %broadcast_in_dim3A_23) -> (vector<264x32xf32>)  : i32 {
      %mul3A_138 = arith.constant 4096 : i32
      %mul3A_139 = arith.muli %scan3A_136, %mul3A_138 : i32
      %add3A_140 = arith.constant 0 : i32
      %add3A_141 = arith.addi %add3A_140, %mul3A_139 : i32
      %get3A_142 = arith.index_cast %add3A_141 : i32 to index
      %get3A_143 = arith.constant 0 : index
      %get3A_144 = vector.load %arg2[%get3A_142, %get3A_143] : memref<32768x32xf32, #tpu.memory_space<vmem>>, vector<4096x32xf32>
      %iota3A = tpu.iota {dimensions = array<i32: 1>} : vector<264x4096xi32>
      %mul3A_145 = arith.constant 4096 : i32
      %mul3A_146 = arith.muli %scan3A_136, %mul3A_145 : i32
      %add3A_147 = vector.broadcast %mul3A_146 : i32 to vector<264x4096xi32>
      %add3A_148 = arith.addi %iota3A, %add3A_147 : vector<264x4096xi32>
      %eq3A = vector.broadcast %scan3A_20#1 : vector<264x1xi32> to vector<264x4096xi32>
      %eq3A_149 = arith.cmpi eq, %add3A_148, %eq3A : vector<264x4096xi32>
      %jit3A = arith.constant 1.000000e+00 : f32
      %jit3A_150 = arith.constant 0.000000e+00 : f32
      %broadcast_in_dim3A_151 = vector.broadcast %jit3A : f32 to vector<264x4096xf32>
      %broadcast_in_dim3A_152 = vector.broadcast %jit3A_150 : f32 to vector<264x4096xf32>
      %select_n3A = arith.select %eq3A_149, %broadcast_in_dim3A_151, %broadcast_in_dim3A_152 : vector<264x4096xi1>, vector<264x4096xf32>
      %dot_general3A_153 = arith.constant dense<0.000000e+00> : vector<264x32xf32>
      %dot_general3A_154 = tpu.matmul %select_n3A, %get3A_144, %dot_general3A_153 {dimension_numbers = #tpu.dot_dimension_numbers<[1], [0], [0], [1], [0, 0, 1, 1], [], []>, precision = #tpu.contract_precision<fp32>, transpose_lhs_hint = false} : vector<264x4096xf32>, vector<4096x32xf32>, vector<264x32xf32> -> vector<264x32xf32>
      %add3A_155 = arith.addf %scan3A_137, %dot_general3A_154 : vector<264x32xf32>
      scf.yield %add3A_155 : vector<264x32xf32>
    }
    %scan3A_29 = arith.constant 2 : i32
    %add3A = arith.addf %broadcast_in_dim3A_10, %scan3A_28 : vector<264x32xf32>
    %sub3A = arith.subf %dot_general3A_8, %scan3A_28 : vector<264x32xf32>
    %swap3A_30 = arith.constant 0 : index
    %swap3A_31 = arith.constant 0 : index
    %swap3A_32 = vector.load %arg6[%swap3A_30, %swap3A_31] : memref<264x128xi32, #tpu.memory_space<vmem>>, vector<264x1xi32>
    tpu.vector_store %arg6[%swap3A_30, %swap3A_31], %scan3A_20#1 {strides = array<i32>} : memref<264x128xi32, #tpu.memory_space<vmem>>, vector<264x1xi32>,
    %mul3A_33 = arith.mulf %sub3A, %sub3A : vector<264x32xf32>
    %reduce_sum3A_34 = arith.constant dense<0.000000e+00> : vector<264xf32>
    %reduce_sum3A_35 = vector.multi_reduction <add>, %mul3A_33, %reduce_sum3A_34 [1] : vector<264x32xf32> to vector<264xf32>
    %broadcast_in_dim3A_36 = vector.shape_cast %reduce_sum3A_35 : vector<264xf32> to vector<264x1xf32>
    %broadcast_in_dim3A_37 = arith.constant 0x7F800000 : f32
    %broadcast_in_dim3A_38 = vector.broadcast %broadcast_in_dim3A_37 : f32 to vector<264x1xf32>
    %broadcast_in_dim3A_39 = arith.constant 0 : i32
    %broadcast_in_dim3A_40 = vector.broadcast %broadcast_in_dim3A_39 : i32 to vector<264x1xi32>
    %scan3A_41 = arith.constant 0 : i32
    %scan3A_42 = arith.constant 2 : i32
    %scan3A_43 = arith.addi %scan3A_41, %scan3A_42 : i32
    %scan3A_44 = arith.constant 1 : i32
    %scan3A_45:2 = scf.for %scan3A_136 = %scan3A_41 to %scan3A_43 step %scan3A_44 iter_args(%scan3A_137 = %broadcast_in_dim3A_38, %scan3A_138 = %broadcast_in_dim3A_40) -> (vector<264x1xf32>, vector<264x1xi32>)  : i32 {
      %mul3A_139 = arith.constant 4096 : i32
      %mul3A_140 = arith.muli %scan3A_136, %mul3A_139 : i32
      %add3A_141 = arith.constant 8192 : i32
      %add3A_142 = arith.addi %add3A_141, %mul3A_140 : i32
      %get3A_143 = arith.index_cast %add3A_142 : i32 to index
      %get3A_144 = arith.constant 0 : index
      %get3A_145 = vector.load %arg2[%get3A_143, %get3A_144] : memref<32768x32xf32, #tpu.memory_space<vmem>>, vector<4096x32xf32>
      %mul3A_146 = arith.constant 4096 : i32
      %mul3A_147 = arith.muli %scan3A_136, %mul3A_146 : i32
      %get3A_148 = arith.constant 1 : index
      %get3A_149 = arith.index_cast %mul3A_147 : i32 to index
      %get3A_150 = vector.load %arg3[%get3A_148, %get3A_149] : memref<4x8192xf32, #tpu.memory_space<vmem>>, vector<1x4096xf32>
      %dot_general3A_151 = arith.constant dense<0.000000e+00> : vector<264x4096xf32>
      %dot_general3A_152 = tpu.matmul %sub3A, %get3A_145, %dot_general3A_151 {dimension_numbers = #tpu.dot_dimension_numbers<[1], [1], [0], [0], [0, 0, 1, 0], [], []>, transpose_lhs_hint = false} : vector<264x32xf32>, vector<4096x32xf32>, vector<264x4096xf32> -> vector<264x4096xf32>
      %mul3A_153 = arith.constant 2.000000e+00 : f32
      %mul3A_154 = vector.broadcast %mul3A_153 : f32 to vector<264x4096xf32>
      %mul3A_155 = arith.mulf %mul3A_154, %dot_general3A_152 : vector<264x4096xf32>
      %sub3A_156 = vector.broadcast %broadcast_in_dim3A_36 : vector<264x1xf32> to vector<264x4096xf32>
      %sub3A_157 = arith.subf %sub3A_156, %mul3A_155 : vector<264x4096xf32>
      %add3A_158 = vector.broadcast %get3A_150 : vector<1x4096xf32> to vector<264x4096xf32>
      %add3A_159 = arith.addf %sub3A_157, %add3A_158 : vector<264x4096xf32>
      %reduce_min3A = arith.constant dense<0x7F800000> : vector<264xf32>
      %reduce_min3A_160 = vector.multi_reduction <minimumf>, %add3A_159, %reduce_min3A [1] : vector<264x4096xf32> to vector<264xf32>
      %broadcast_in_dim3A_161 = vector.shape_cast %reduce_min3A_160 : vector<264xf32> to vector<264x1xf32>
      %iota3A = tpu.iota {dimensions = array<i32: 1>} : vector<264x4096xi32>
      %eq3A = vector.broadcast %broadcast_in_dim3A_161 : vector<264x1xf32> to vector<264x4096xf32>
      %eq3A_162 = arith.cmpf oeq, %add3A_159, %eq3A : vector<264x4096xf32>
      %jit3A = arith.constant 4096 : i32
      %broadcast_in_dim3A_163 = vector.broadcast %jit3A : i32 to vector<264x4096xi32>
      %select_n3A = arith.select %eq3A_162, %iota3A, %broadcast_in_dim3A_163 : vector<264x4096xi1>, vector<264x4096xi32>
      %reduce_min3A_164 = arith.constant dense<2147483647> : vector<264xi32>
      %reduce_min3A_165 = vector.multi_reduction <minsi>, %select_n3A, %reduce_min3A_164 [1] : vector<264x4096xi32> to vector<264xi32>
      %broadcast_in_dim3A_166 = vector.shape_cast %reduce_min3A_165 : vector<264xi32> to vector<264x1xi32>
      %mul3A_167 = arith.constant 4096 : i32
      %mul3A_168 = arith.muli %scan3A_136, %mul3A_167 : i32
      %add3A_169 = vector.broadcast %mul3A_168 : i32 to vector<264x1xi32>
      %add3A_170 = arith.addi %broadcast_in_dim3A_166, %add3A_169 : vector<264x1xi32>
      %lt3A = arith.cmpf olt, %broadcast_in_dim3A_161, %scan3A_137 : vector<264x1xf32>
      %select_n3A_171 = arith.select %lt3A, %broadcast_in_dim3A_161, %scan3A_137 : vector<264x1xi1>, vector<264x1xf32>
      %select_n3A_172 = arith.select %lt3A, %add3A_170, %scan3A_138 : vector<264x1xi1>, vector<264x1xi32>
      scf.yield %select_n3A_171, %select_n3A_172 : vector<264x1xf32>, vector<264x1xi32>
    }
    %scan3A_46 = arith.constant 2 : i32
    %broadcast_in_dim3A_47 = arith.constant 0.000000e+00 : f32
    %broadcast_in_dim3A_48 = vector.broadcast %broadcast_in_dim3A_47 : f32 to vector<264x32xf32>
    %scan3A_49 = arith.constant 0 : i32
    %scan3A_50 = arith.constant 2 : i32
    %scan3A_51 = arith.addi %scan3A_49, %scan3A_50 : i32
    %scan3A_52 = arith.constant 1 : i32
    %scan3A_53 = scf.for %scan3A_136 = %scan3A_49 to %scan3A_51 step %scan3A_52 iter_args(%scan3A_137 = %broadcast_in_dim3A_48) -> (vector<264x32xf32>)  : i32 {
      %mul3A_138 = arith.constant 4096 : i32
      %mul3A_139 = arith.muli %scan3A_136, %mul3A_138 : i32
      %add3A_140 = arith.constant 8192 : i32
      %add3A_141 = arith.addi %add3A_140, %mul3A_139 : i32
      %get3A_142 = arith.index_cast %add3A_141 : i32 to index
      %get3A_143 = arith.constant 0 : index
      %get3A_144 = vector.load %arg2[%get3A_142, %get3A_143] : memref<32768x32xf32, #tpu.memory_space<vmem>>, vector<4096x32xf32>
      %iota3A = tpu.iota {dimensions = array<i32: 1>} : vector<264x4096xi32>
      %mul3A_145 = arith.constant 4096 : i32
      %mul3A_146 = arith.muli %scan3A_136, %mul3A_145 : i32
      %add3A_147 = vector.broadcast %mul3A_146 : i32 to vector<264x4096xi32>
      %add3A_148 = arith.addi %iota3A, %add3A_147 : vector<264x4096xi32>
      %eq3A = vector.broadcast %scan3A_45#1 : vector<264x1xi32> to vector<264x4096xi32>
      %eq3A_149 = arith.cmpi eq, %add3A_148, %eq3A : vector<264x4096xi32>
      %jit3A = arith.constant 1.000000e+00 : f32
      %jit3A_150 = arith.constant 0.000000e+00 : f32
      %broadcast_in_dim3A_151 = vector.broadcast %jit3A : f32 to vector<264x4096xf32>
      %broadcast_in_dim3A_152 = vector.broadcast %jit3A_150 : f32 to vector<264x4096xf32>
      %select_n3A = arith.select %eq3A_149, %broadcast_in_dim3A_151, %broadcast_in_dim3A_152 : vector<264x4096xi1>, vector<264x4096xf32>
      %dot_general3A_153 = arith.constant dense<0.000000e+00> : vector<264x32xf32>
      %dot_general3A_154 = tpu.matmul %select_n3A, %get3A_144, %dot_general3A_153 {dimension_numbers = #tpu.dot_dimension_numbers<[1], [0], [0], [1], [0, 0, 1, 1], [], []>, precision = #tpu.contract_precision<fp32>, transpose_lhs_hint = false} : vector<264x4096xf32>, vector<4096x32xf32>, vector<264x32xf32> -> vector<264x32xf32>
      %add3A_155 = arith.addf %scan3A_137, %dot_general3A_154 : vector<264x32xf32>
      scf.yield %add3A_155 : vector<264x32xf32>
    }
    %scan3A_54 = arith.constant 2 : i32
    %add3A_55 = arith.addf %add3A, %scan3A_53 : vector<264x32xf32>
    %sub3A_56 = arith.subf %sub3A, %scan3A_53 : vector<264x32xf32>
    %swap3A_57 = arith.constant 0 : index
    %swap3A_58 = arith.constant 1 : index
    %swap3A_59 = vector.load %arg6[%swap3A_57, %swap3A_58] : memref<264x128xi32, #tpu.memory_space<vmem>>, vector<264x1xi32>
    tpu.vector_store %arg6[%swap3A_57, %swap3A_58], %scan3A_45#1 {strides = array<i32>} : memref<264x128xi32, #tpu.memory_space<vmem>>, vector<264x1xi32>,
    %mul3A_60 = arith.mulf %sub3A_56, %sub3A_56 : vector<264x32xf32>
    %reduce_sum3A_61 = arith.constant dense<0.000000e+00> : vector<264xf32>
    %reduce_sum3A_62 = vector.multi_reduction <add>, %mul3A_60, %reduce_sum3A_61 [1] : vector<264x32xf32> to vector<264xf32>
    %broadcast_in_dim3A_63 = vector.shape_cast %reduce_sum3A_62 : vector<264xf32> to vector<264x1xf32>
    %broadcast_in_dim3A_64 = arith.constant 0x7F800000 : f32
    %broadcast_in_dim3A_65 = vector.broadcast %broadcast_in_dim3A_64 : f32 to vector<264x1xf32>
    %broadcast_in_dim3A_66 = arith.constant 0 : i32
    %broadcast_in_dim3A_67 = vector.broadcast %broadcast_in_dim3A_66 : i32 to vector<264x1xi32>
    %scan3A_68 = arith.constant 0 : i32
    %scan3A_69 = arith.constant 2 : i32
    %scan3A_70 = arith.addi %scan3A_68, %scan3A_69 : i32
    %scan3A_71 = arith.constant 1 : i32
    %scan3A_72:2 = scf.for %scan3A_136 = %scan3A_68 to %scan3A_70 step %scan3A_71 iter_args(%scan3A_137 = %broadcast_in_dim3A_65, %scan3A_138 = %broadcast_in_dim3A_67) -> (vector<264x1xf32>, vector<264x1xi32>)  : i32 {
      %mul3A_139 = arith.constant 4096 : i32
      %mul3A_140 = arith.muli %scan3A_136, %mul3A_139 : i32
      %add3A_141 = arith.constant 16384 : i32
      %add3A_142 = arith.addi %add3A_141, %mul3A_140 : i32
      %get3A_143 = arith.index_cast %add3A_142 : i32 to index
      %get3A_144 = arith.constant 0 : index
      %get3A_145 = vector.load %arg2[%get3A_143, %get3A_144] : memref<32768x32xf32, #tpu.memory_space<vmem>>, vector<4096x32xf32>
      %mul3A_146 = arith.constant 4096 : i32
      %mul3A_147 = arith.muli %scan3A_136, %mul3A_146 : i32
      %get3A_148 = arith.constant 2 : index
      %get3A_149 = arith.index_cast %mul3A_147 : i32 to index
      %get3A_150 = vector.load %arg3[%get3A_148, %get3A_149] : memref<4x8192xf32, #tpu.memory_space<vmem>>, vector<1x4096xf32>
      %dot_general3A_151 = arith.constant dense<0.000000e+00> : vector<264x4096xf32>
      %dot_general3A_152 = tpu.matmul %sub3A_56, %get3A_145, %dot_general3A_151 {dimension_numbers = #tpu.dot_dimension_numbers<[1], [1], [0], [0], [0, 0, 1, 0], [], []>, transpose_lhs_hint = false} : vector<264x32xf32>, vector<4096x32xf32>, vector<264x4096xf32> -> vector<264x4096xf32>
      %mul3A_153 = arith.constant 2.000000e+00 : f32
      %mul3A_154 = vector.broadcast %mul3A_153 : f32 to vector<264x4096xf32>
      %mul3A_155 = arith.mulf %mul3A_154, %dot_general3A_152 : vector<264x4096xf32>
      %sub3A_156 = vector.broadcast %broadcast_in_dim3A_63 : vector<264x1xf32> to vector<264x4096xf32>
      %sub3A_157 = arith.subf %sub3A_156, %mul3A_155 : vector<264x4096xf32>
      %add3A_158 = vector.broadcast %get3A_150 : vector<1x4096xf32> to vector<264x4096xf32>
      %add3A_159 = arith.addf %sub3A_157, %add3A_158 : vector<264x4096xf32>
      %reduce_min3A = arith.constant dense<0x7F800000> : vector<264xf32>
      %reduce_min3A_160 = vector.multi_reduction <minimumf>, %add3A_159, %reduce_min3A [1] : vector<264x4096xf32> to vector<264xf32>
      %broadcast_in_dim3A_161 = vector.shape_cast %reduce_min3A_160 : vector<264xf32> to vector<264x1xf32>
      %iota3A = tpu.iota {dimensions = array<i32: 1>} : vector<264x4096xi32>
      %eq3A = vector.broadcast %broadcast_in_dim3A_161 : vector<264x1xf32> to vector<264x4096xf32>
      %eq3A_162 = arith.cmpf oeq, %add3A_159, %eq3A : vector<264x4096xf32>
      %jit3A = arith.constant 4096 : i32
      %broadcast_in_dim3A_163 = vector.broadcast %jit3A : i32 to vector<264x4096xi32>
      %select_n3A = arith.select %eq3A_162, %iota3A, %broadcast_in_dim3A_163 : vector<264x4096xi1>, vector<264x4096xi32>
      %reduce_min3A_164 = arith.constant dense<2147483647> : vector<264xi32>
      %reduce_min3A_165 = vector.multi_reduction <minsi>, %select_n3A, %reduce_min3A_164 [1] : vector<264x4096xi32> to vector<264xi32>
      %broadcast_in_dim3A_166 = vector.shape_cast %reduce_min3A_165 : vector<264xi32> to vector<264x1xi32>
      %mul3A_167 = arith.constant 4096 : i32
      %mul3A_168 = arith.muli %scan3A_136, %mul3A_167 : i32
      %add3A_169 = vector.broadcast %mul3A_168 : i32 to vector<264x1xi32>
      %add3A_170 = arith.addi %broadcast_in_dim3A_166, %add3A_169 : vector<264x1xi32>
      %lt3A = arith.cmpf olt, %broadcast_in_dim3A_161, %scan3A_137 : vector<264x1xf32>
      %select_n3A_171 = arith.select %lt3A, %broadcast_in_dim3A_161, %scan3A_137 : vector<264x1xi1>, vector<264x1xf32>
      %select_n3A_172 = arith.select %lt3A, %add3A_170, %scan3A_138 : vector<264x1xi1>, vector<264x1xi32>
      scf.yield %select_n3A_171, %select_n3A_172 : vector<264x1xf32>, vector<264x1xi32>
    }
    %scan3A_73 = arith.constant 2 : i32
    %broadcast_in_dim3A_74 = arith.constant 0.000000e+00 : f32
    %broadcast_in_dim3A_75 = vector.broadcast %broadcast_in_dim3A_74 : f32 to vector<264x32xf32>
    %scan3A_76 = arith.constant 0 : i32
    %scan3A_77 = arith.constant 2 : i32
    %scan3A_78 = arith.addi %scan3A_76, %scan3A_77 : i32
    %scan3A_79 = arith.constant 1 : i32
    %scan3A_80 = scf.for %scan3A_136 = %scan3A_76 to %scan3A_78 step %scan3A_79 iter_args(%scan3A_137 = %broadcast_in_dim3A_75) -> (vector<264x32xf32>)  : i32 {
      %mul3A_138 = arith.constant 4096 : i32
      %mul3A_139 = arith.muli %scan3A_136, %mul3A_138 : i32
      %add3A_140 = arith.constant 16384 : i32
      %add3A_141 = arith.addi %add3A_140, %mul3A_139 : i32
      %get3A_142 = arith.index_cast %add3A_141 : i32 to index
      %get3A_143 = arith.constant 0 : index
      %get3A_144 = vector.load %arg2[%get3A_142, %get3A_143] : memref<32768x32xf32, #tpu.memory_space<vmem>>, vector<4096x32xf32>
      %iota3A = tpu.iota {dimensions = array<i32: 1>} : vector<264x4096xi32>
      %mul3A_145 = arith.constant 4096 : i32
      %mul3A_146 = arith.muli %scan3A_136, %mul3A_145 : i32
      %add3A_147 = vector.broadcast %mul3A_146 : i32 to vector<264x4096xi32>
      %add3A_148 = arith.addi %iota3A, %add3A_147 : vector<264x4096xi32>
      %eq3A = vector.broadcast %scan3A_72#1 : vector<264x1xi32> to vector<264x4096xi32>
      %eq3A_149 = arith.cmpi eq, %add3A_148, %eq3A : vector<264x4096xi32>
      %jit3A = arith.constant 1.000000e+00 : f32
      %jit3A_150 = arith.constant 0.000000e+00 : f32
      %broadcast_in_dim3A_151 = vector.broadcast %jit3A : f32 to vector<264x4096xf32>
      %broadcast_in_dim3A_152 = vector.broadcast %jit3A_150 : f32 to vector<264x4096xf32>
      %select_n3A = arith.select %eq3A_149, %broadcast_in_dim3A_151, %broadcast_in_dim3A_152 : vector<264x4096xi1>, vector<264x4096xf32>
      %dot_general3A_153 = arith.constant dense<0.000000e+00> : vector<264x32xf32>
      %dot_general3A_154 = tpu.matmul %select_n3A, %get3A_144, %dot_general3A_153 {dimension_numbers = #tpu.dot_dimension_numbers<[1], [0], [0], [1], [0, 0, 1, 1], [], []>, precision = #tpu.contract_precision<fp32>, transpose_lhs_hint = false} : vector<264x4096xf32>, vector<4096x32xf32>, vector<264x32xf32> -> vector<264x32xf32>
      %add3A_155 = arith.addf %scan3A_137, %dot_general3A_154 : vector<264x32xf32>
      scf.yield %add3A_155 : vector<264x32xf32>
    }
    %scan3A_81 = arith.constant 2 : i32
    %add3A_82 = arith.addf %add3A_55, %scan3A_80 : vector<264x32xf32>
    %sub3A_83 = arith.subf %sub3A_56, %scan3A_80 : vector<264x32xf32>
    %swap3A_84 = arith.constant 0 : index
    %swap3A_85 = arith.constant 2 : index
    %swap3A_86 = vector.load %arg6[%swap3A_84, %swap3A_85] : memref<264x128xi32, #tpu.memory_space<vmem>>, vector<264x1xi32>
    tpu.vector_store %arg6[%swap3A_84, %swap3A_85], %scan3A_72#1 {strides = array<i32>} : memref<264x128xi32, #tpu.memory_space<vmem>>, vector<264x1xi32>,
    %mul3A_87 = arith.mulf %sub3A_83, %sub3A_83 : vector<264x32xf32>
    %reduce_sum3A_88 = arith.constant dense<0.000000e+00> : vector<264xf32>
    %reduce_sum3A_89 = vector.multi_reduction <add>, %mul3A_87, %reduce_sum3A_88 [1] : vector<264x32xf32> to vector<264xf32>
    %broadcast_in_dim3A_90 = vector.shape_cast %reduce_sum3A_89 : vector<264xf32> to vector<264x1xf32>
    %broadcast_in_dim3A_91 = arith.constant 0x7F800000 : f32
    %broadcast_in_dim3A_92 = vector.broadcast %broadcast_in_dim3A_91 : f32 to vector<264x1xf32>
    %broadcast_in_dim3A_93 = arith.constant 0 : i32
    %broadcast_in_dim3A_94 = vector.broadcast %broadcast_in_dim3A_93 : i32 to vector<264x1xi32>
    %scan3A_95 = arith.constant 0 : i32
    %scan3A_96 = arith.constant 2 : i32
    %scan3A_97 = arith.addi %scan3A_95, %scan3A_96 : i32
    %scan3A_98 = arith.constant 1 : i32
    %scan3A_99:2 = scf.for %scan3A_136 = %scan3A_95 to %scan3A_97 step %scan3A_98 iter_args(%scan3A_137 = %broadcast_in_dim3A_92, %scan3A_138 = %broadcast_in_dim3A_94) -> (vector<264x1xf32>, vector<264x1xi32>)  : i32 {
      %mul3A_139 = arith.constant 4096 : i32
      %mul3A_140 = arith.muli %scan3A_136, %mul3A_139 : i32
      %add3A_141 = arith.constant 24576 : i32
      %add3A_142 = arith.addi %add3A_141, %mul3A_140 : i32
      %get3A_143 = arith.index_cast %add3A_142 : i32 to index
      %get3A_144 = arith.constant 0 : index
      %get3A_145 = vector.load %arg2[%get3A_143, %get3A_144] : memref<32768x32xf32, #tpu.memory_space<vmem>>, vector<4096x32xf32>
      %mul3A_146 = arith.constant 4096 : i32
      %mul3A_147 = arith.muli %scan3A_136, %mul3A_146 : i32
      %get3A_148 = arith.constant 3 : index
      %get3A_149 = arith.index_cast %mul3A_147 : i32 to index
      %get3A_150 = vector.load %arg3[%get3A_148, %get3A_149] : memref<4x8192xf32, #tpu.memory_space<vmem>>, vector<1x4096xf32>
      %dot_general3A_151 = arith.constant dense<0.000000e+00> : vector<264x4096xf32>
      %dot_general3A_152 = tpu.matmul %sub3A_83, %get3A_145, %dot_general3A_151 {dimension_numbers = #tpu.dot_dimension_numbers<[1], [1], [0], [0], [0, 0, 1, 0], [], []>, transpose_lhs_hint = false} : vector<264x32xf32>, vector<4096x32xf32>, vector<264x4096xf32> -> vector<264x4096xf32>
      %mul3A_153 = arith.constant 2.000000e+00 : f32
      %mul3A_154 = vector.broadcast %mul3A_153 : f32 to vector<264x4096xf32>
      %mul3A_155 = arith.mulf %mul3A_154, %dot_general3A_152 : vector<264x4096xf32>
      %sub3A_156 = vector.broadcast %broadcast_in_dim3A_90 : vector<264x1xf32> to vector<264x4096xf32>
      %sub3A_157 = arith.subf %sub3A_156, %mul3A_155 : vector<264x4096xf32>
      %add3A_158 = vector.broadcast %get3A_150 : vector<1x4096xf32> to vector<264x4096xf32>
      %add3A_159 = arith.addf %sub3A_157, %add3A_158 : vector<264x4096xf32>
      %reduce_min3A = arith.constant dense<0x7F800000> : vector<264xf32>
      %reduce_min3A_160 = vector.multi_reduction <minimumf>, %add3A_159, %reduce_min3A [1] : vector<264x4096xf32> to vector<264xf32>
      %broadcast_in_dim3A_161 = vector.shape_cast %reduce_min3A_160 : vector<264xf32> to vector<264x1xf32>
      %iota3A = tpu.iota {dimensions = array<i32: 1>} : vector<264x4096xi32>
      %eq3A = vector.broadcast %broadcast_in_dim3A_161 : vector<264x1xf32> to vector<264x4096xf32>
      %eq3A_162 = arith.cmpf oeq, %add3A_159, %eq3A : vector<264x4096xf32>
      %jit3A = arith.constant 4096 : i32
      %broadcast_in_dim3A_163 = vector.broadcast %jit3A : i32 to vector<264x4096xi32>
      %select_n3A = arith.select %eq3A_162, %iota3A, %broadcast_in_dim3A_163 : vector<264x4096xi1>, vector<264x4096xi32>
      %reduce_min3A_164 = arith.constant dense<2147483647> : vector<264xi32>
      %reduce_min3A_165 = vector.multi_reduction <minsi>, %select_n3A, %reduce_min3A_164 [1] : vector<264x4096xi32> to vector<264xi32>
      %broadcast_in_dim3A_166 = vector.shape_cast %reduce_min3A_165 : vector<264xi32> to vector<264x1xi32>
      %mul3A_167 = arith.constant 4096 : i32
      %mul3A_168 = arith.muli %scan3A_136, %mul3A_167 : i32
      %add3A_169 = vector.broadcast %mul3A_168 : i32 to vector<264x1xi32>
      %add3A_170 = arith.addi %broadcast_in_dim3A_166, %add3A_169 : vector<264x1xi32>
      %lt3A = arith.cmpf olt, %broadcast_in_dim3A_161, %scan3A_137 : vector<264x1xf32>
      %select_n3A_171 = arith.select %lt3A, %broadcast_in_dim3A_161, %scan3A_137 : vector<264x1xi1>, vector<264x1xf32>
      %select_n3A_172 = arith.select %lt3A, %add3A_170, %scan3A_138 : vector<264x1xi1>, vector<264x1xi32>
      scf.yield %select_n3A_171, %select_n3A_172 : vector<264x1xf32>, vector<264x1xi32>
    }
    %scan3A_100 = arith.constant 2 : i32
    %broadcast_in_dim3A_101 = arith.constant 0.000000e+00 : f32
    %broadcast_in_dim3A_102 = vector.broadcast %broadcast_in_dim3A_101 : f32 to vector<264x32xf32>
    %scan3A_103 = arith.constant 0 : i32
    %scan3A_104 = arith.constant 2 : i32
    %scan3A_105 = arith.addi %scan3A_103, %scan3A_104 : i32
    %scan3A_106 = arith.constant 1 : i32
    %scan3A_107 = scf.for %scan3A_136 = %scan3A_103 to %scan3A_105 step %scan3A_106 iter_args(%scan3A_137 = %broadcast_in_dim3A_102) -> (vector<264x32xf32>)  : i32 {
      %mul3A_138 = arith.constant 4096 : i32
      %mul3A_139 = arith.muli %scan3A_136, %mul3A_138 : i32
      %add3A_140 = arith.constant 24576 : i32
      %add3A_141 = arith.addi %add3A_140, %mul3A_139 : i32
      %get3A_142 = arith.index_cast %add3A_141 : i32 to index
      %get3A_143 = arith.constant 0 : index
      %get3A_144 = vector.load %arg2[%get3A_142, %get3A_143] : memref<32768x32xf32, #tpu.memory_space<vmem>>, vector<4096x32xf32>
      %iota3A = tpu.iota {dimensions = array<i32: 1>} : vector<264x4096xi32>
      %mul3A_145 = arith.constant 4096 : i32
      %mul3A_146 = arith.muli %scan3A_136, %mul3A_145 : i32
      %add3A_147 = vector.broadcast %mul3A_146 : i32 to vector<264x4096xi32>
      %add3A_148 = arith.addi %iota3A, %add3A_147 : vector<264x4096xi32>
      %eq3A = vector.broadcast %scan3A_99#1 : vector<264x1xi32> to vector<264x4096xi32>
      %eq3A_149 = arith.cmpi eq, %add3A_148, %eq3A : vector<264x4096xi32>
      %jit3A = arith.constant 1.000000e+00 : f32
      %jit3A_150 = arith.constant 0.000000e+00 : f32
      %broadcast_in_dim3A_151 = vector.broadcast %jit3A : f32 to vector<264x4096xf32>
      %broadcast_in_dim3A_152 = vector.broadcast %jit3A_150 : f32 to vector<264x4096xf32>
      %select_n3A = arith.select %eq3A_149, %broadcast_in_dim3A_151, %broadcast_in_dim3A_152 : vector<264x4096xi1>, vector<264x4096xf32>
      %dot_general3A_153 = arith.constant dense<0.000000e+00> : vector<264x32xf32>
      %dot_general3A_154 = tpu.matmul %select_n3A, %get3A_144, %dot_general3A_153 {dimension_numbers = #tpu.dot_dimension_numbers<[1], [0], [0], [1], [0, 0, 1, 1], [], []>, precision = #tpu.contract_precision<fp32>, transpose_lhs_hint = false} : vector<264x4096xf32>, vector<4096x32xf32>, vector<264x32xf32> -> vector<264x32xf32>
      %add3A_155 = arith.addf %scan3A_137, %dot_general3A_154 : vector<264x32xf32>
      scf.yield %add3A_155 : vector<264x32xf32>
    }
    %scan3A_108 = arith.constant 2 : i32
    %add3A_109 = arith.addf %add3A_82, %scan3A_107 : vector<264x32xf32>
    %swap3A_110 = arith.constant 0 : index
    %swap3A_111 = arith.constant 3 : index
    %swap3A_112 = vector.load %arg6[%swap3A_110, %swap3A_111] : memref<264x128xi32, #tpu.memory_space<vmem>>, vector<264x1xi32>
    tpu.vector_store %arg6[%swap3A_110, %swap3A_111], %scan3A_99#1 {strides = array<i32>} : memref<264x128xi32, #tpu.memory_space<vmem>>, vector<264x1xi32>,
    %sub3A_113 = arith.subf %add3A_109, %dot_general3A_8 : vector<264x32xf32>
    %add3A_114 = arith.addf %dot_general3A_8, %sub3A_113 : vector<264x32xf32>
    %get3A_115 = arith.constant 0 : index
    %get3A_116 = arith.constant 0 : index
    %get3A_117 = vector.load %arg4[%get3A_115, %get3A_116] : memref<32x512xf32, #tpu.memory_space<vmem>>, vector<32x512xf32>
    %dot_general3A_118 = arith.constant dense<0.000000e+00> : vector<264x512xf32>
    %dot_general3A_119 = tpu.matmul %add3A_114, %get3A_117, %dot_general3A_118 {dimension_numbers = #tpu.dot_dimension_numbers<[1], [0], [0], [1], [0, 0, 1, 1], [], []>, transpose_lhs_hint = false} : vector<264x32xf32>, vector<32x512xf32>, vector<264x512xf32> -> vector<264x512xf32>
    %swap3A_120 = arith.constant 0 : index
    %swap3A_121 = arith.constant 0 : index
    %swap3A_122 = vector.load %arg5[%swap3A_120, %swap3A_121] : memref<272x512xf32, #tpu.memory_space<vmem>>, vector<264x512xf32>
    tpu.vector_store %arg5[%swap3A_120, %swap3A_121], %dot_general3A_119 {strides = array<i32>} : memref<272x512xf32, #tpu.memory_space<vmem>>, vector<264x512xf32>,
    %broadcast_in_dim3A_123 = arith.constant 0.000000e+00 : f32
    %broadcast_in_dim3A_124 = vector.broadcast %broadcast_in_dim3A_123 : f32 to vector<8x512xf32>
    %swap3A_125 = arith.constant 264 : index
    %swap3A_126 = arith.constant 0 : index
    %swap3A_127 = vector.load %arg5[%swap3A_125, %swap3A_126] : memref<272x512xf32, #tpu.memory_space<vmem>>, vector<8x512xf32>
    tpu.vector_store %arg5[%swap3A_125, %swap3A_126], %broadcast_in_dim3A_124 {strides = array<i32>} : memref<272x512xf32, #tpu.memory_space<vmem>>, vector<8x512xf32>,
    %sub3A_128 = arith.subf %dot_general3A_8, %add3A_109 : vector<264x32xf32>
    %mul3A_129 = arith.mulf %sub3A_128, %sub3A_128 : vector<264x32xf32>
    %reduce_sum3A_130 = arith.constant dense<0.000000e+00> : vector<264xf32>
    %reduce_sum3A_131 = vector.multi_reduction <add>, %mul3A_129, %reduce_sum3A_130 [1] : vector<264x32xf32> to vector<264xf32>
    %broadcast_in_dim3A_132 = vector.shape_cast %reduce_sum3A_131 : vector<264xf32> to vector<264x1xf32>
    %bitcast_convert_type3A = tpu.bitcast %broadcast_in_dim3A_132 : vector<264x1xf32> -> vector<264x1xi32>
    %swap3A_133 = arith.constant 0 : index
    %swap3A_134 = arith.constant 4 : index
    %swap3A_135 = vector.load %arg6[%swap3A_133, %swap3A_134] : memref<264x128xi32, #tpu.memory_space<vmem>>, vector<264x1xi32>
    tpu.vector_store %arg6[%swap3A_133, %swap3A_134], %bitcast_convert_type3A {strides = array<i32>} : memref<264x128xi32, #tpu.memory_space<vmem>>, vector<264x1xi32>,
    return
  }
}

module attributes {stable_mosaic.version = 14 : i64} {
  func.func @_loss_body(%arg0: memref<8192x128xi32, #tpu.memory_space<vmem>>, %arg1: memref<1x1xf32, #tpu.memory_space<vmem>>) attributes {dimension_semantics = [], scalar_prefetch = 0 : i64, scratch_operands = 0 : i64, tpu.core_type = #tpu.core_type<tc>} {
    %get3A = arith.constant 0 : index
    %get3A_0 = arith.constant 4 : index
    %get3A_1 = vector.load %arg0[%get3A, %get3A_0] : memref<8192x128xi32, #tpu.memory_space<vmem>>, vector<8192x1xi32>
    %bitcast_convert_type3A = tpu.bitcast %get3A_1 : vector<8192x1xi32> -> vector<8192x1xf32>
    %reduce_sum3A = vector.shape_cast %bitcast_convert_type3A : vector<8192x1xf32> to vector<1x8192x1xf32>
    %reduce_sum3A_2 = arith.constant dense<0.000000e+00> : vector<1xf32>
    %reduce_sum3A_3 = vector.multi_reduction <add>, %reduce_sum3A, %reduce_sum3A_2 [1, 2] : vector<1x8192x1xf32> to vector<1xf32>
    %reduce_sum3A_4 = vector.shape_cast %reduce_sum3A_3 : vector<1xf32> to vector<1x1x1xf32>
    %reduce_sum3A_5 = vector.extract %reduce_sum3A_4[0, 0, 0] : f32 from vector<1x1x1xf32>
    %mul3A = arith.constant 4.76837158E-6 : f32
    %mul3A_6 = arith.mulf %reduce_sum3A_5, %mul3A : f32
    %broadcast_in_dim3A = vector.broadcast %mul3A_6 : f32 to vector<1x1xf32>
    %swap3A = arith.constant 0 : index
    %swap3A_7 = arith.constant 0 : index
    %swap3A_8 = vector.load %arg1[%swap3A, %swap3A_7] : memref<1x1xf32, #tpu.memory_space<vmem>>, vector<1x1xf32>
    tpu.vector_store %arg1[%swap3A, %swap3A_7], %broadcast_in_dim3A {strides = array<i32>} : memref<1x1xf32, #tpu.memory_space<vmem>>, vector<1x1xf32>,
    return
  }
}

</mosaic_0001>

<sc_bundles>
// kernel: kernel.5.cloned.1.call-start
scs
__scs_entry_jumppad:
0x0: {  	(pc) =	sbr.rel $0x88, $3  }
0x1: {  	(tag) =	ssettag $0x0;
	lr =	simm.s32 $0x1  }
0x2: {  	[smem:$0x3F9B] =	sst lr;
	_ =	strace $0xD0000000  }
0x3: {  	_ = 	snop  }
0x4: {  	_ = 	snop  }
0x5: {  	_ = 	snop  }
0x6: {  	_ = 	snop  }
0x7: {  	_ = 	snop  }
__scs_overlays_trampoline_lowered:
0x8: {  	[smem:$0x3FAA] =	sst s0  }
0x9: {  	[smem:$0x3FAB] =	sst s1  }
0xa: {  	[smem:$0x3FAC] =	sst s2  }
0xb: {  	[smem:$0x3FAD] =	sst s3  }
0xc: {  	[smem:$0x3FAE] =	sst s4  }
0xd: {  	[smem:$0x3FAF] =	sst s5  }
0xe: {  	[smem:$0x3FB0] =	sst s6  }
0xf: {  	[smem:$0x3FB1] =	sst s7  }
0x10: {  	[smem:$0x3FB2] =	sst s8  }
0x11: {  	[smem:$0x3FB3] =	sst s9;
	s0 =	simm.s32 @!p0 $0x0  }
0x12: {  	s1 =	sld [smem:$0x3F99];
	s0 =	simm.s32 @p0 $0x1  }
0x13: {  	[smem:$0x3FB4] =	sst s0;
	s0 =	simm.s32 @!p1 $0x0  }
0x14: {  	s2 =	sld [smem:$0x3F98];
	s0 =	simm.s32 @p1 $0x1  }
0x15: {  	[smem:$0x3FB5] =	sst s0;
	s0 =	simm.s32 @!p2 $0x0  }
0x16: {  	s3 =	sld [smem:$0x3FDB];
	s0 =	simm.s32 @p2 $0x1  }
0x17: {  	s4 =	simm.s32 $0x1BF5;
	[smem:$0x3FB7] =	sst s0  }
0x18: {  	s0 =	sld [smem:$0x3F9A];
	_ =	swait.ge [sflag:s4], $0x0  }
0x19: {  	s7 =	sld [smem:$0x3F9B]  }
0x1a: {  	s8 =	sadd.s32 $0xFFFFE003, lr  }
0x1b: {  	s9 =	sadd.s32 $0xFFFFFEF7, lr;
	s5 =	simm.s32 $0xFFFFFFFF;
	p2 =	slt.u32 s8, $0xFFFFF086  }
0x1c: {  	p1 =	slt.u32 s9, $0xF7A;
	s5 =	simm.s32 @!p2 $0x0  }
0x1d: {  	s5 =	simm.s32 @p1 $0x1;
	p0 =	seq.s32 s7, s2  }
0x1e: {  	s7 =	smul.u32 @!p0 $0xF7A, s2;
	p2 =	seq.s32 @!p0 s5, $0x0  }
0x1f: {  	s9 =	smul.u32 $0xF7A, s1;
	s8 =	simm.s32 @!p0 $0x1BF5;
	p2 =	por !p2, p0  }
0x20: {  	[sflag:s8] =	ssyncset.s32 @!p0 $0xFFFFF086;
	s6 =	sadd.s32 @!p0 s3, s7;
	s7 =	simm.s32 @!p0 $0x108  }
0x21: {  	s3 =	sadd.s32 s3, s9;
	s6 =	sadd.s32 @!p0 $0x88, s6;
	s7 =	simm.s32 @p2 $0x1082  }
0x22: {  	[simem:s7], [sflag:s8] =	dma.local @!p0 [hbm:s6], $0xF7A  }
0x23: {  	s9 =	sor.u32 $0xD0000000, s2;
	s6 =	simm.s32 $0x108;
	_ =	swait.ge @!p0 [sflag:s8], $0x0  }
0x24: {  	s3 =	sadd.s32 $0x88, s3;
	s6 =	simm.s32 @!p1 $0x1082;
	[sflag:s4] =	ssyncset.s32 $0xFFFFF086  }
0x25: {  	[simem:s6], [sflag:s4] =	dma.local [hbm:s3], $0xF7A  }
0x26: {  	[smem:$0x3F9B] =	sst s1;
	(tag) =	ssettag s2;
	_ =	strace s9  }
0x27: {  	s1 =	sld [smem:$0x3FAB]  }
0x28: {  	s2 =	sld [smem:$0x3FAC]  }
0x29: {  	s4 =	sld [smem:$0x3FAE]  }
0x2a: {  	p0 =	seq.s32 s5, $0x0;
	s5 =	sld [smem:$0x3FAF]  }
0x2b: {  	s6 =	sld [smem:$0x3FB0]  }
0x2c: {  	s7 =	sld [smem:$0x3FB1]  }
0x2d: {  	s3 =	simm.s32 $0x108;
	s8 =	sld [smem:$0x3FB2]  }
0x2e: {  	s3 =	simm.s32 @!p0 $0x1082;
	s9 =	sld [smem:$0x3FB3]  }
0x2f: {  	lr =	sadd.s32 s0, s3;
	s0 =	sld [smem:$0x3FAA]  }
0x30: {  	s3 =	sld [smem:$0x3FAD]  }
0x31: {  	[smem:$0x3FB6] =	sst s10  }
0x32: {  	s10 =	sld [smem:$0x3FB4];
	_ =	sdelay $0x3  }
0x33: {  	p0 =	seq.s32 s10, $0x1;
	s10 =	sld [smem:$0x3FB6];
	_ =	sdelay $0x3  }
0x34: {  	[smem:$0x3FB6] =	sst s10  }
0x35: {  	s10 =	sld [smem:$0x3FB5];
	_ =	sdelay $0x3  }
0x36: {  	p1 =	seq.s32 s10, $0x1;
	s10 =	sld [smem:$0x3FB6];
	_ =	sdelay $0x3  }
0x37: {  	[smem:$0x3FB6] =	sst s10  }
0x38: {  	s10 =	sld [smem:$0x3FB7]  }
0x39: {  	_ = 	snop;
	(pc) =	sbr.ind lr, $3  }
0x3a: {  	_ = 	snop  }
0x3b: {  	_ = 	snop  }
0x3c: {  	p2 =	seq.s32 s10, $0x1;
	s10 =	sld [smem:$0x3FB6]  }
0x3d: {  	_ =	shalt  }
0x3e: {  	_ =	shalt  }
0x3f: {  	_ =	shalt  }
0x40: {  	_ =	shalt  }
0x41: {  	_ =	shalt  }
0x42: {  	_ =	shalt  }
0x43: {  	_ =	shalt  }
0x44: {  	_ =	shalt  }
0x45: {  	_ =	shalt  }
0x46: {  	_ =	shalt  }
0x47: {  	_ =	shalt  }
0x48: {  	_ =	shalt  }
0x49: {  	_ =	shalt  }
0x4a: {  	_ =	shalt  }
0x4b: {  	_ =	shalt  }
0x4c: {  	_ =	shalt  }
0x4d: {  	_ =	shalt  }
0x4e: {  	_ =	shalt  }
0x4f: {  	_ =	shalt  }
0x50: {  	_ =	shalt  }
0x51: {  	_ =	shalt  }
0x52: {  	_ =	shalt  }
0x53: {  	_ =	shalt  }
0x54: {  	_ =	shalt  }
0x55: {  	_ =	shalt  }
0x56: {  	_ =	shalt  }
0x57: {  	_ =	shalt  }
0x58: {  	_ =	shalt  }
0x59: {  	_ =	shalt  }
0x5a: {  	_ =	shalt  }
0x5b: {  	_ =	shalt  }
0x5c: {  	_ =	shalt  }
0x5d: {  	_ =	shalt  }
0x5e: {  	_ =	shalt  }
0x5f: {  	_ =	shalt  }
0x60: {  	_ =	shalt  }
0x61: {  	_ =	shalt  }
0x62: {  	_ =	shalt  }
0x63: {  	_ =	shalt  }
0x64: {  	_ =	shalt  }
0x65: {  	_ =	shalt  }
0x66: {  	_ =	shalt  }
0x67: {  	_ =	shalt  }
0x68: {  	_ =	shalt  }
0x69: {  	_ =	shalt  }
0x6a: {  	_ =	shalt  }
0x6b: {  	_ =	shalt  }
0x6c: {  	_ =	shalt  }
0x6d: {  	_ =	shalt  }
0x6e: {  	_ =	shalt  }
0x6f: {  	_ =	shalt  }
0x70: {  	_ =	shalt  }
0x71: {  	_ =	shalt  }
0x72: {  	_ =	shalt  }
0x73: {  	_ =	shalt  }
0x74: {  	_ =	shalt  }
0x75: {  	_ =	shalt  }
0x76: {  	_ =	shalt  }
0x77: {  	_ =	shalt  }
0x78: {  	_ =	shalt  }
0x79: {  	_ =	shalt  }
0x7a: {  	_ =	shalt  }
0x7b: {  	_ =	shalt  }
0x7c: {  	_ =	shalt  }
0x7d: {  	_ =	shalt  }
0x7e: {  	_ =	shalt  }
0x7f: {  	_ =	shalt  }
0x80: {  	_ =	shalt  }
0x81: {  	_ =	shalt  }
0x82: {  	_ =	shalt  }
0x83: {  	_ =	shalt  }
0x84: {  	_ =	shalt  }
0x85: {  	_ =	shalt  }
0x86: {  	_ =	shalt  }
0x87: {  	_ =	shalt  }
.Lfunc_end0:
.L_simem_size_0:
called_computation_lowered:
.L_overlay_start_0:
0x88: {  	s2 =	sld [smem:$0x3FD9]  }
0x89: {  	s3 =	sld [smem:$0x3FFE];
	_ =	sdelay $0x1  }
0x8a: {  	s1 =	srdreg.scid  }
0x8b: {  	s0 =	sand.u32 $0x1, s1  }
0x8c: {  	s14 =	sshll.u32 s0, $0xA;
	s2 =	sadd.s32 s3, s2  }
0x8d: {  	s2 =	sadd.s32 s2, s14  }
0x8e: {  	[smem:$0x3FC2] =	sst s2  }
0x8f: {  	_ = 	snop  }
0x90: {  	s2 =	sld [smem:$0x3FD0];
	_ =	sdelay $0x2  }
0x91: {  	s15 =	simm.s32 $0xA;
	s4 =	simm.s32 $0x10  }
0x92: {  	[smem:s4], [sflag:s15] =	dma.local [hbm:s2], $0x1  }
0x93: {  	_ =	swait.eq [sflag:s15], $0x1  }
0x94: {  	[sflag:s15] =	ssyncset.done $0x0  }
0x95: {  	s16 =	sld [smem:$0x10];
	[sflag:s15] =	ssyncadd.s32 $0xFFFFFFFF  }
0x96: {  	s17 =	sld [smem:$0x11];
	(tm) =	ssettm $0x1  }
0x97: {  	s18 =	sld [smem:$0x3FFB];
	_ =	sdelay $0x3  }
0x98: {  	_ =	strace s18  }
0x99: {  	s4 =	sld [smem:$0x3FFC];
	_ =	sdelay $0x3  }
0x9a: {  	_ =	strace s4  }
0x9b: {  	s4 =	sld [smem:$0x3FFD];
	_ =	sdelay $0x3  }
0x9c: {  	_ =	strace s4  }
0x9d: {  	_ =	strace $0x8FFFFFFF  }
0x9e: {  	s19 =	sld [smem:$0x3FDB];
	_ =	sdelay $0x1  }
0x9f: {  	s5 =	simm.s32 $_scs_section_size  }
0xa0: {  	s6 =	simm.s32 $_size__tile_overlayer_lowered;
	s7 =	simm.s32 $_tile_overlayer_lowered  }
0xa1: {  	s22 =	simm.s32 $0x1BFF;
	s21 =	sshll.u32 s7, $0x1;
	s4 =	sadd.s32 s5, s19  }
0xa2: {  	s8 =	simm.s32 $0x0;
	s20 =	sshll.u32 s6, $0x1;
	s6 =	sadd.s32 s21, s4  }
0xa3: {  	[timem:s8], [sflag:s22] =	dma.local [hbm:s6], s20  }
0xa4: {  	_ =	swait.ge [sflag:s22], s20  }
0xa5: {  	s5 =	ssub.s32 $0x0, s20;
	[sflag:s22] =	ssyncset.done $0x0  }
0xa6: {  	[sflag:s22] =	ssyncadd.s32 s5;
	_ =	sdelay $0x1  }
0xa7: {  	s23 =	simm.s32 $0x1B8B  }
0xa8: {  	_ =	swait.ge [sflag:s23], $0x1  }
0xa9: {  	[sflag:s23] =	ssyncset.done $0x0  }
0xaa: {  	s25 =	simm.s32 $0x1B8E;
	s24 =	sld [smem:$0x3FFE];
	[sflag:s23] =	ssyncadd.s32 $0xFFFFFFFF  }
0xab: {  	s26 =	simm.s32 $execute0_lowered;
	[smem:$0x3FD2] =	sst s25  }
0xac: {  	s6 =	sshll.u32 s26, $0x1;
	_ =	strace $0x80000046;
	[dreg:$0x1] =	wrdreg $0xFFFFFFFF  }
0xad: {  	s28 =	simm.s32 $_size_execute0_lowered;
	s4 =	sadd.s32 s4, s6;
	[dreg:$0x0] =	wrdreg $0x0  }
0xae: {  	s6 =	sshll.u32 s28, $0x1;
	[dreg:$0x2] =	wrdreg s4  }
0xaf: {  	[dreg:$0x3] =	wrdreg s6  }
0xb0: {  	[dreg:$0x4] =	wrdreg $0xC0  }
0xb1: {  	_ =	task [dreg:s8], $0x5FFFF  }
0xb2: {  	[dreg:$0x1] =	wrdreg $0xFFFFFFFF  }
0xb3: {  	[dreg:$0x0] =	wrdreg $0x60  }
0xb4: {  	[dreg:$0x2] =	wrdreg s24  }
0xb5: {  	[dreg:$0x3] =	wrdreg s17  }
0xb6: {  	[dreg:$0x4] =	wrdreg s16  }
0xb7: {  	[dreg:$0x5] =	wrdreg $0x9  }
0xb8: {  	_ =	task.clear_ibuf [dreg:s8], $0x6FFFF;
	_ =	strace $0x90000046  }
0xb9: {  	s29 =	simm.s32 $0x9;
	_ =	strace $0x80000048  }
0xba: {  	_ =	swait.ge [sflag:s29], $0x1  }
0xbb: {  	[sflag:s29] =	ssyncadd.s32 $0xFFFFFFFF  }
0xbc: {  	_ =	strace $0x90000048  }
0xbd: {  	_ =	sfence  }
0xbe: {  	s30 =	sld [smem:$0x0];
	_ =	sdelay $0x2  }
0xbf: {  	s31 =	sshll.u32 s1, $0xD;
	s1 =	sshrl.u32 s1, $0x2  }
0xc0: {  	s3 =	sand.u32 $0x4000, s31;
	s1 =	sadd.s32 s1, s30  }
0xc1: {  	s0 =	sor.u32 s3, s0;
	s1 =	sshll.u32 s1, $0x11  }
0xc2: {  	s0 =	sor.u32 s1, s0  }
0xc3: {  	s0 =	sadd.s32 $0x8F2B, s0  }
0xc4: {  	[sflag:s0] =	ssyncadd.remote.s32 $0x1  }
0xc5: {  	_ =	sfence.sel $0xFFFF  }
0xc6: {  	[dreg:$0x0] =	wrdreg $0xFFFFFFFF;
	(pc) =	sbr.abs _section_cstart, $3  }
0xc7: {  	[dreg:$0x1] =	wrdreg $0xFFFFFFFF  }
0xc8: {  	_ =	task.clear_ibuf [dreg:s8], $0x2FFFF;
	_ =	strace $0x9FFFFFFF  }
0xc9: {  	(tm) =	ssettm $0x7FFFFFFF  }
tec
execute0_lowered:
.L_overlay_start_1:
0x0: {  	(tag) =	ssettag $0x1  }
0x1: {  	s0 =	rddreg [dreg:$0x0]  }
0x2: {  	s3 =	rddreg [dreg:$0x1];
	s2 =	stileid.u32  }
0x3: {  	s4 =	rddreg [dreg:$0x2];
	s5 =	sshll.u32 s2, $0x9;
	s2 =	simm.s32 $0x0  }
0x4: {  	s16 =	simm.s32 $0xCA00;
	[smem:$0x7FF] =	sst s2  }
0x5: {  	s17 =	simm.s32 $0xD200;
	_ =	strace $0x80000047;
	[dreg:$0xb] =	wrdreg s16  }
0x6: {  	s18 =	simm.s32 $0xDA00;
	[dreg:$0xc] =	wrdreg s17  }
0x7: {  	s19 =	simm.s32 $0xE200;
	[dreg:$0xd] =	wrdreg s18  }
0x8: {  	s20 =	simm.s32 $0xEA00;
	[dreg:$0xe] =	wrdreg s19  }
0x9: {  	s21 =	simm.s32 $0xF200;
	[dreg:$0xf] =	wrdreg s20  }
0xa: {  	s22 =	simm.s32 $0xFA00;
	[dreg:$0x10] =	wrdreg s21  }
0xb: {  	s23 =	simm.s32 $0x10200;
	[dreg:$0x11] =	wrdreg s22  }
0xc: {  	s24 =	simm.s32 $0x10A00;
	[dreg:$0x12] =	wrdreg s23  }
0xd: {  	s25 =	simm.s32 $0x11200;
	[dreg:$0x13] =	wrdreg s24  }
0xe: {  	[dreg:$0x14] =	wrdreg s25;
	s16 =	simm.s32 $0x17200  }
0xf: {  	s1 =	srdreg.scid;
	s17 =	simm.s32 $0x17A00;
	[dreg:$0x1f] =	wrdreg s16  }
0x10: {  	s30 =	simm.s32 $0x200;
	s18 =	simm.s32 $0x18200;
	[smem:$0x7F4] =	sst s17  }
0x11: {  	s31 =	simm.s32 $0x7;
	s19 =	simm.s32 $0x18A00;
	[smem:$0x7F5] =	sst s18  }
0x12: {  	s28 =	simm.s32 $0xA200;
	s20 =	simm.s32 $0x19200;
	[smem:$0x7F6] =	sst s19  }
0x13: {  	s29 =	simm.s32 $0xAA00;
	s21 =	simm.s32 $0x19A00;
	[smem:$0x7F7] =	sst s20  }
0x14: {  	s1 =	sand.u32 $0x1, s1;
	s22 =	simm.s32 $0x1A200;
	[smem:$0x7F8] =	sst s21  }
0x15: {  	s8 =	sadd.s32 $0x7400, s0;
	s23 =	simm.s32 $0x1AA00;
	[smem:$0x7F9] =	sst s22  }
0x16: {  	s6 =	sshll.u32 s1, $0x8;
	s24 =	simm.s32 $0x1B200;
	[smem:$0x7FA] =	sst s23  }
0x17: {  	s5 =	sor.u32 s6, s5;
	s25 =	simm.s32 $0x1BA00;
	[smem:$0x7FB] =	sst s24  }
0x18: {  	s1 =	ssub.s32 $0x2, s1;
	s6 =	sshrl.u32 s5, $0x3;
	[smem:$0x7FC] =	sst s25  }
0x19: {  	s16 =	simm.s32 $0x4A00;
	s17 =	simm.s32 $0x5200;
	s18 =	simm.s32 $0x5A00  }
0x1a: {  	s19 =	simm.s32 $0x6200;
	s20 =	simm.s32 $0x6A00;
	s21 =	simm.s32 $0x7200  }
0x1b: {  	s22 =	simm.s32 $0x7A00;
	s23 =	simm.s32 $0x8200;
	s3 =	sadd.s32 s3, s6  }
0x1c: {  	s7 =	sadd.s32 s6, s0;
	s6 =	sor.u32 $0x10, s6;
	[dreg:$0x4] =	wrdreg s3  }
0x1d: {  	s26 =	sadd.s32 $0x1A00, s7;
	s7 =	sshll.u32 s5, $0x4;
	s9 =	sshll.u32 s6, $0x7  }
0x1e: {  	s13 =	sshll.u32 s6, $0x9;
	s6 =	simm.s32 $0x12200;
	[dreg:$0x5] =	wrdreg s26  }
0x1f: {  	s24 =	simm.s32 $0x8A00;
	s3 =	sadd.s32 s8, s7;
	[dreg:$0x16] =	wrdreg s6  }
0x20: {  	s25 =	simm.s32 $0x9200;
	s10 =	sadd.s32 s8, s9;
	[dreg:$0x6] =	wrdreg s3  }
0x21: {  	s5 =	sshll.u32 s5, $0x6;
	s14 =	sadd.s32 s4, s13;
	[dreg:$0x7] =	wrdreg s10  }
0x22: {  	s11 =	sadd.s32 s4, s5;
	s4 =	sadd.s32 $0x1E00, s0;
	[dreg:$0x9] =	wrdreg s14  }
0x23: {  	s5 =	sadd.s32 $0x6200, s0;
	s26 =	simm.s32 $0x11A00;
	[smem:$0x7F3] =	sst s11  }
0x24: {  	s7 =	sshrl.u32 s1, $0x1;
	s8 =	simm.s32 $0x12A00;
	[dreg:$0x15] =	wrdreg s26  }
0x25: {  	s9 =	simm.s32 $0x13200;
	s6 =	sadd.s32 $0x1F00, s0;
	[dreg:$0x17] =	wrdreg s8  }
0x26: {  	s13 =	simm.s32 $0x15A00;
	s0 =	simm.s32 $0x4;
	[dreg:$0x18] =	wrdreg s9  }
0x27: {  	s12 =	sadd.s32 $0x1000, s11;
	s15 =	sadd.s32 $0x3000, s11;
	[dreg:$0x1c] =	wrdreg s13  }
0x28: {  	s1 =	ssub.s32 s1, s7;
	s10 =	simm.s32 $0x13A00;
	[dreg:$0x8] =	wrdreg s12  }
0x29: {  	s11 =	simm.s32 $0x14A00;
	s8 =	simm.s32 $0x8;
	[dreg:$0xa] =	wrdreg s15  }
0x2a: {  	s14 =	simm.s32 $0x16200;
	s26 =	simm.s32 $0x180;
	[dreg:$0x19] =	wrdreg s10  }
0x2b: {  	s9 =	simm.s32 $0xBA00;
	s7 =	smax.u32 s1, $0x1;
	[dreg:$0x1a] =	wrdreg s11  }
0x2c: {  	s12 =	simm.s32 $0x15200;
	s10 =	simm.s32 $0x4200;
	[dreg:$0x1d] =	wrdreg s14  }
0x2d: {  	v2 =	vlaneseq.u32;
	s15 =	simm.s32 $0x16A00;
	[smem:$0x7FD] =	sst s26;
	s1 =	simm.s32 $0x1  }
0x2e: {  	vm0 =	vmmov $0xffff;
	v1 =	vshrl.u32 v2, $0x3;
	s26 =	simm.s32 $0x9A00;
	s11 =	simm.s32 $0xC200;
	[dreg:$0x1b] =	wrdreg s12  }
0x2f: {  	v0 =	vand.u32 $0x7, v2;
	v2 =	vor.u32 $0x8, v2;
	v1 =	vmul.u32 $0x8, v1;
	[dreg:$0x1e] =	wrdreg s15;
	s15 =	simm.s32 $0x100;
	s12 =	simm.s32 $0x14200  }
.LBB2_1:
0x30: {  	s13 =	rddreg [dreg:$0x4]  }
0x31: {  	[tilespmem:s2], [sflag:$0x8] =	stream.linear.gather [hbm4b:s13+s2], $0x100, $0x38;
	[tilespmem:$0x1C200] =	vst v63  }
0x32: {  	_ =	swait.ge [sflag:s8], $0x100  }
0x33: {  	[sflag:s8] =	ssyncset.done $0x0  }
0x34: {  	s3 =	rddreg [dreg:$0x5];
	[sflag:s8] =	ssyncadd.s32 $0xFFFFFF00  }
0x35: {  	[tilespmem:s15], [sflag:$0x8] =	stream.linear.gather [hbm4b:s3+s2], $0x100, $0x38;
	[tilespmem:$0x1C200] =	vst v63  }
0x36: {  	_ =	swait.ge [sflag:s8], $0x100  }
0x37: {  	[sflag:s8] =	ssyncset.done $0x0  }
0x38: {  	[sflag:s8] =	ssyncadd.s32 $0xFFFFFF00  }
0x39: {  	v3 =	vld [tilespmem:$0x0];
	_ =	sdelay $0x4  }
0x3a: {  	v4 =	vshll.u32 v3, $0x2  }
0x3b: {  	v3 =	vand.u32 $0x7, v3;
	v4 =	vand.u32 $0xFFFFFFE0, v4  }
0x3c: {  	v3 =	vor.u32 v3, v4  }
0x3d: {  	v4 =	vperm.xlane v3, v0;
	_ =	sdelay $0x1  }
0x3e: {  	v4 =	vadd.s32 v1, v4;
	_ =	sdelay $0x1  }
0x3f: {  	v3 =	vperm.xlane v3, v2;
	_ =	sdelay $0x1  }
0x40: {  	v3 =	vadd.s32 v1, v3  }
0x41: {  	[tilespmem:s10], [sflag:$0x1] =	stream.indirect_vreg.gather [hbm4b:s4+s2], $0x80, v4, vm0, $0xb8;
	[tilespmem:$0x1C200] =	vst v63  }
0x42: {  	_ = 	snop  }
0x43: {  	[tilespmem:s16], [sflag:$0x1] =	stream.indirect_vreg.gather [hbm4b:s6+s2], $0x80, v4, vm0, $0xb8;
	[tilespmem:$0x1C200] =	vst v63  }
0x44: {  	_ = 	snop  }
0x45: {  	[tilespmem:s17], [sflag:$0x1] =	stream.indirect_vreg.gather [hbm4b:s4+s2], $0x80, v3, vm0, $0xb8;
	[tilespmem:$0x1C200] =	vst v63  }
0x46: {  	_ = 	snop  }
0x47: {  	[tilespmem:s18], [sflag:$0x1] =	stream.indirect_vreg.gather [hbm4b:s6+s2], $0x80, v3, vm0, $0xb8;
	[tilespmem:$0x1C200] =	vst v63  }
0x48: {  	v3 =	vld [tilespmem:$0x10];
	_ =	sdelay $0x4  }
0x49: {  	v49 =	vshll.u32 v3, $0x2  }
0x4a: {  	v3 =	vand.u32 $0x7, v3;
	v4 =	vand.u32 $0xFFFFFFE0, v49  }
0x4b: {  	v3 =	vor.u32 v3, v4  }
0x4c: {  	v4 =	vperm.xlane v3, v0;
	_ =	sdelay $0x1  }
0x4d: {  	v4 =	vadd.s32 v1, v4;
	_ =	sdelay $0x1  }
0x4e: {  	v3 =	vperm.xlane v3, v2;
	_ =	sdelay $0x1  }
0x4f: {  	v3 =	vadd.s32 v1, v3  }
0x50: {  	[tilespmem:s19], [sflag:$0x1] =	stream.indirect_vreg.gather [hbm4b:s4+s2], $0x80, v4, vm0, $0xb8;
	[tilespmem:$0x1C200] =	vst v63  }
0x51: {  	_ = 	snop  }
0x52: {  	[tilespmem:s20], [sflag:$0x1] =	stream.indirect_vreg.gather [hbm4b:s6+s2], $0x80, v4, vm0, $0xb8;
	[tilespmem:$0x1C200] =	vst v63  }
0x53: {  	_ = 	snop  }
0x54: {  	[tilespmem:s21], [sflag:$0x1] =	stream.indirect_vreg.gather [hbm4b:s4+s2], $0x80, v3, vm0, $0xb8;
	[tilespmem:$0x1C200] =	vst v63  }
0x55: {  	_ = 	snop  }
0x56: {  	[tilespmem:s22], [sflag:$0x1] =	stream.indirect_vreg.gather [hbm4b:s6+s2], $0x80, v3, vm0, $0xb8;
	[tilespmem:$0x1C200] =	vst v63  }
0x57: {  	v3 =	vld [tilespmem:$0x20];
	_ =	sdelay $0x4  }
0x58: {  	v50 =	vshll.u32 v3, $0x2  }
0x59: {  	v3 =	vand.u32 $0x7, v3;
	v4 =	vand.u32 $0xFFFFFFE0, v50  }
0x5a: {  	v3 =	vor.u32 v3, v4  }
0x5b: {  	v4 =	vperm.xlane v3, v0;
	_ =	sdelay $0x1  }
0x5c: {  	v4 =	vadd.s32 v1, v4;
	_ =	sdelay $0x1  }
0x5d: {  	v3 =	vperm.xlane v3, v2;
	_ =	sdelay $0x1  }
0x5e: {  	v3 =	vadd.s32 v1, v3  }
0x5f: {  	[tilespmem:s23], [sflag:$0x1] =	stream.indirect_vreg.gather [hbm4b:s4+s2], $0x80, v4, vm0, $0xb8;
	[tilespmem:$0x1C200] =	vst v63  }
0x60: {  	_ = 	snop  }
0x61: {  	[tilespmem:s24], [sflag:$0x1] =	stream.indirect_vreg.gather [hbm4b:s6+s2], $0x80, v4, vm0, $0xb8;
	[tilespmem:$0x1C200] =	vst v63  }
0x62: {  	_ = 	snop  }
0x63: {  	[tilespmem:s25], [sflag:$0x1] =	stream.indirect_vreg.gather [hbm4b:s4+s2], $0x80, v3, vm0, $0xb8;
	[tilespmem:$0x1C200] =	vst v63  }
0x64: {  	_ = 	snop  }
0x65: {  	[tilespmem:s26], [sflag:$0x1] =	stream.indirect_vreg.gather [hbm4b:s6+s2], $0x80, v3, vm0, $0xb8;
	[tilespmem:$0x1C200] =	vst v63  }
0x66: {  	v3 =	vld [tilespmem:$0x30];
	_ =	sdelay $0x4  }
0x67: {  	v51 =	vshll.u32 v3, $0x2  }
0x68: {  	v3 =	vand.u32 $0x7, v3;
	v4 =	vand.u32 $0xFFFFFFE0, v51  }
0x69: {  	v3 =	vor.u32 v3, v4  }
0x6a: {  	v4 =	vperm.xlane v3, v0;
	_ =	sdelay $0x1  }
0x6b: {  	v4 =	vadd.s32 v1, v4;
	_ =	sdelay $0x1  }
0x6c: {  	v3 =	vperm.xlane v3, v2;
	_ =	sdelay $0x1  }
0x6d: {  	v3 =	vadd.s32 v1, v3  }
0x6e: {  	[tilespmem:s28], [sflag:$0x1] =	stream.indirect_vreg.gather [hbm4b:s4+s2], $0x80, v4, vm0, $0xb8;
	[tilespmem:$0x1C200] =	vst v63  }
0x6f: {  	_ = 	snop  }
0x70: {  	[tilespmem:s29], [sflag:$0x1] =	stream.indirect_vreg.gather [hbm4b:s6+s2], $0x80, v4, vm0, $0xb8;
	[tilespmem:$0x1C200] =	vst v63  }
0x71: {  	s3 =	simm.s32 $0xB200  }
0x72: {  	[tilespmem:s3], [sflag:$0x1] =	stream.indirect_vreg.gather [hbm4b:s4+s2], $0x80, v3, vm0, $0xb8;
	[tilespmem:$0x1C200] =	vst v63  }
0x73: {  	_ = 	snop  }
0x74: {  	[tilespmem:s9], [sflag:$0x1] =	stream.indirect_vreg.gather [hbm4b:s6+s2], $0x80, v3, vm0, $0xb8;
	[tilespmem:$0x1C200] =	vst v63  }
0x75: {  	v3 =	vld [tilespmem:$0x40];
	_ =	sdelay $0x4  }
0x76: {  	v52 =	vshll.u32 v3, $0x2  }
0x77: {  	v3 =	vand.u32 $0x7, v3;
	v4 =	vand.u32 $0xFFFFFFE0, v52  }
0x78: {  	v3 =	vor.u32 v3, v4  }
0x79: {  	v4 =	vperm.xlane v3, v0;
	_ =	sdelay $0x1  }
0x7a: {  	v4 =	vadd.s32 v1, v4;
	_ =	sdelay $0x1  }
0x7b: {  	v3 =	vperm.xlane v3, v2;
	_ =	sdelay $0x1  }
0x7c: {  	v3 =	vadd.s32 v1, v3  }
0x7d: {  	[tilespmem:s11], [sflag:$0x2] =	stream.indirect_vreg.gather [hbm4b:s4+s2], $0x80, v4, vm0, $0xb8;
	[tilespmem:$0x1C200] =	vst v63  }
0x7e: {  	s13 =	rddreg [dreg:$0xb]  }
0x7f: {  	[tilespmem:s13], [sflag:$0x2] =	stream.indirect_vreg.gather [hbm4b:s6+s2], $0x80, v4, vm0, $0xb8;
	[tilespmem:$0x1C200] =	vst v63  }
0x80: {  	s14 =	rddreg [dreg:$0xc]  }
0x81: {  	[tilespmem:s14], [sflag:$0x2] =	stream.indirect_vreg.gather [hbm4b:s4+s2], $0x80, v3, vm0, $0xb8;
	[tilespmem:$0x1C200] =	vst v63  }
0x82: {  	s13 =	rddreg [dreg:$0xd]  }
0x83: {  	[tilespmem:s13], [sflag:$0x2] =	stream.indirect_vreg.gather [hbm4b:s6+s2], $0x80, v3, vm0, $0xb8;
	[tilespmem:$0x1C200] =	vst v63  }
0x84: {  	v3 =	vld [tilespmem:$0x50];
	_ =	sdelay $0x4  }
0x85: {  	v53 =	vshll.u32 v3, $0x2  }
0x86: {  	v3 =	vand.u32 $0x7, v3;
	v4 =	vand.u32 $0xFFFFFFE0, v53  }
0x87: {  	v3 =	vor.u32 v3, v4  }
0x88: {  	v4 =	vperm.xlane v3, v0;
	_ =	sdelay $0x1  }
0x89: {  	v4 =	vadd.s32 v1, v4;
	_ =	sdelay $0x1  }
0x8a: {  	v3 =	vperm.xlane v3, v2;
	_ =	sdelay $0x1  }
0x8b: {  	s13 =	rddreg [dreg:$0xe];
	v3 =	vadd.s32 v1, v3  }
0x8c: {  	[tilespmem:s13], [sflag:$0x2] =	stream.indirect_vreg.gather [hbm4b:s4+s2], $0x80, v4, vm0, $0xb8;
	[tilespmem:$0x1C200] =	vst v63  }
0x8d: {  	s14 =	rddreg [dreg:$0xf]  }
0x8e: {  	[tilespmem:s14], [sflag:$0x2] =	stream.indirect_vreg.gather [hbm4b:s6+s2], $0x80, v4, vm0, $0xb8;
	[tilespmem:$0x1C200] =	vst v63  }
0x8f: {  	s13 =	rddreg [dreg:$0x10]  }
0x90: {  	[tilespmem:s13], [sflag:$0x2] =	stream.indirect_vreg.gather [hbm4b:s4+s2], $0x80, v3, vm0, $0xb8;
	[tilespmem:$0x1C200] =	vst v63  }
0x91: {  	s14 =	rddreg [dreg:$0x11]  }
0x92: {  	[tilespmem:s14], [sflag:$0x2] =	stream.indirect_vreg.gather [hbm4b:s6+s2], $0x80, v3, vm0, $0xb8;
	[tilespmem:$0x1C200] =	vst v63  }
0x93: {  	v3 =	vld [tilespmem:$0x60];
	_ =	sdelay $0x4  }
0x94: {  	v54 =	vshll.u32 v3, $0x2  }
0x95: {  	v3 =	vand.u32 $0x7, v3;
	v4 =	vand.u32 $0xFFFFFFE0, v54  }
0x96: {  	v3 =	vor.u32 v3, v4  }
0x97: {  	v4 =	vperm.xlane v3, v0;
	_ =	sdelay $0x1  }
0x98: {  	v4 =	vadd.s32 v1, v4;
	_ =	sdelay $0x1  }
0x99: {  	v3 =	vperm.xlane v3, v2;
	_ =	sdelay $0x1  }
0x9a: {  	s13 =	rddreg [dreg:$0x12];
	v3 =	vadd.s32 v1, v3  }
0x9b: {  	[tilespmem:s13], [sflag:$0x2] =	stream.indirect_vreg.gather [hbm4b:s4+s2], $0x80, v4, vm0, $0xb8;
	[tilespmem:$0x1C200] =	vst v63  }
0x9c: {  	s14 =	rddreg [dreg:$0x13]  }
0x9d: {  	[tilespmem:s14], [sflag:$0x2] =	stream.indirect_vreg.gather [hbm4b:s6+s2], $0x80, v4, vm0, $0xb8;
	[tilespmem:$0x1C200] =	vst v63  }
0x9e: {  	s13 =	rddreg [dreg:$0x14]  }
0x9f: {  	[tilespmem:s13], [sflag:$0x2] =	stream.indirect_vreg.gather [hbm4b:s4+s2], $0x80, v3, vm0, $0xb8;
	[tilespmem:$0x1C200] =	vst v63  }
0xa0: {  	s14 =	rddreg [dreg:$0x15]  }
0xa1: {  	[tilespmem:s14], [sflag:$0x2] =	stream.indirect_vreg.gather [hbm4b:s6+s2], $0x80, v3, vm0, $0xb8;
	[tilespmem:$0x1C200] =	vst v63  }
0xa2: {  	v3 =	vld [tilespmem:$0x70];
	_ =	sdelay $0x4  }
0xa3: {  	v55 =	vshll.u32 v3, $0x2  }
0xa4: {  	v3 =	vand.u32 $0x7, v3;
	v4 =	vand.u32 $0xFFFFFFE0, v55  }
0xa5: {  	v3 =	vor.u32 v3, v4  }
0xa6: {  	v4 =	vperm.xlane v3, v0;
	_ =	sdelay $0x1  }
0xa7: {  	v4 =	vadd.s32 v1, v4;
	_ =	sdelay $0x1  }
0xa8: {  	v3 =	vperm.xlane v3, v2;
	_ =	sdelay $0x1  }
0xa9: {  	s13 =	rddreg [dreg:$0x16];
	v3 =	vadd.s32 v1, v3  }
0xaa: {  	[tilespmem:s13], [sflag:$0x2] =	stream.indirect_vreg.gather [hbm4b:s4+s2], $0x80, v4, vm0, $0xb8;
	[tilespmem:$0x1C200] =	vst v63  }
0xab: {  	s14 =	rddreg [dreg:$0x17]  }
0xac: {  	[tilespmem:s14], [sflag:$0x2] =	stream.indirect_vreg.gather [hbm4b:s6+s2], $0x80, v4, vm0, $0xb8;
	[tilespmem:$0x1C200] =	vst v63  }
0xad: {  	s13 =	rddreg [dreg:$0x18]  }
0xae: {  	[tilespmem:s13], [sflag:$0x2] =	stream.indirect_vreg.gather [hbm4b:s4+s2], $0x80, v3, vm0, $0xb8;
	[tilespmem:$0x1C200] =	vst v63  }
0xaf: {  	s14 =	rddreg [dreg:$0x19]  }
0xb0: {  	[tilespmem:s14], [sflag:$0x2] =	stream.indirect_vreg.gather [hbm4b:s6+s2], $0x80, v3, vm0, $0xb8;
	[tilespmem:$0x1C200] =	vst v63  }
0xb1: {  	v3 =	vld [tilespmem:$0x80];
	_ =	sdelay $0x4  }
0xb2: {  	v56 =	vshll.u32 v3, $0x2  }
0xb3: {  	v3 =	vand.u32 $0x7, v3;
	v4 =	vand.u32 $0xFFFFFFE0, v56  }
0xb4: {  	v3 =	vor.u32 v3, v4  }
0xb5: {  	v4 =	vperm.xlane v3, v0;
	_ =	sdelay $0x1  }
0xb6: {  	v4 =	vadd.s32 v1, v4;
	_ =	sdelay $0x1  }
0xb7: {  	v3 =	vperm.xlane v3, v2;
	_ =	sdelay $0x1  }
0xb8: {  	v3 =	vadd.s32 v1, v3  }
0xb9: {  	[tilespmem:s12], [sflag:$0x3] =	stream.indirect_vreg.gather [hbm4b:s4+s2], $0x80, v4, vm0, $0xb8;
	[tilespmem:$0x1C200] =	vst v63  }
0xba: {  	s13 =	rddreg [dreg:$0x1a]  }
0xbb: {  	[tilespmem:s13], [sflag:$0x3] =	stream.indirect_vreg.gather [hbm4b:s6+s2], $0x80, v4, vm0, $0xb8;
	[tilespmem:$0x1C200] =	vst v63  }
0xbc: {  	s14 =	rddreg [dreg:$0x1b]  }
0xbd: {  	[tilespmem:s14], [sflag:$0x3] =	stream.indirect_vreg.gather [hbm4b:s4+s2], $0x80, v3, vm0, $0xb8;
	[tilespmem:$0x1C200] =	vst v63  }
0xbe: {  	s13 =	rddreg [dreg:$0x1c]  }
0xbf: {  	[tilespmem:s13], [sflag:$0x3] =	stream.indirect_vreg.gather [hbm4b:s6+s2], $0x80, v3, vm0, $0xb8;
	[tilespmem:$0x1C200] =	vst v63  }
0xc0: {  	v3 =	vld [tilespmem:$0x90];
	_ =	sdelay $0x4  }
0xc1: {  	v57 =	vshll.u32 v3, $0x2  }
0xc2: {  	v3 =	vand.u32 $0x7, v3;
	v4 =	vand.u32 $0xFFFFFFE0, v57  }
0xc3: {  	v3 =	vor.u32 v3, v4  }
0xc4: {  	v4 =	vperm.xlane v3, v0;
	_ =	sdelay $0x1  }
0xc5: {  	v4 =	vadd.s32 v1, v4;
	_ =	sdelay $0x1  }
0xc6: {  	v3 =	vperm.xlane v3, v2  }
0xc7: {  	s14 =	rddreg [dreg:$0x1e]  }
0xc8: {  	s13 =	rddreg [dreg:$0x1d];
	v3 =	vadd.s32 v1, v3  }
0xc9: {  	[tilespmem:s13], [sflag:$0x3] =	stream.indirect_vreg.gather [hbm4b:s4+s2], $0x80, v4, vm0, $0xb8;
	[tilespmem:$0x1C200] =	vst v63  }
0xca: {  	s13 =	rddreg [dreg:$0x1f]  }
0xcb: {  	[tilespmem:s14], [sflag:$0x3] =	stream.indirect_vreg.gather [hbm4b:s6+s2], $0x80, v4, vm0, $0xb8;
	[tilespmem:$0x1C200] =	vst v63  }
0xcc: {  	s14 =	sld [smem:$0x7F4]  }
0xcd: {  	[tilespmem:s13], [sflag:$0x3] =	stream.indirect_vreg.gather [hbm4b:s4+s2], $0x80, v3, vm0, $0xb8;
	[tilespmem:$0x1C200] =	vst v63  }
0xce: {  	_ = 	snop  }
0xcf: {  	[tilespmem:s14], [sflag:$0x3] =	stream.indirect_vreg.gather [hbm4b:s6+s2], $0x80, v3, vm0, $0xb8;
	[tilespmem:$0x1C200] =	vst v63  }
0xd0: {  	v3 =	vld [tilespmem:$0xA0];
	_ =	sdelay $0x4  }
0xd1: {  	v58 =	vshll.u32 v3, $0x2  }
0xd2: {  	v3 =	vand.u32 $0x7, v3;
	v4 =	vand.u32 $0xFFFFFFE0, v58  }
0xd3: {  	v3 =	vor.u32 v3, v4  }
0xd4: {  	v4 =	vperm.xlane v3, v0;
	_ =	sdelay $0x1  }
0xd5: {  	v4 =	vadd.s32 v1, v4;
	_ =	sdelay $0x1  }
0xd6: {  	s13 =	sld [smem:$0x7F5];
	v3 =	vperm.xlane v3, v2;
	_ =	sdelay $0x1  }
0xd7: {  	s14 =	sld [smem:$0x7F6];
	v3 =	vadd.s32 v1, v3  }
0xd8: {  	[tilespmem:s13], [sflag:$0x3] =	stream.indirect_vreg.gather [hbm4b:s4+s2], $0x80, v4, vm0, $0xb8;
	[tilespmem:$0x1C200] =	vst v63  }
0xd9: {  	s13 =	sld [smem:$0x7F7]  }
0xda: {  	[tilespmem:s14], [sflag:$0x3] =	stream.indirect_vreg.gather [hbm4b:s6+s2], $0x80, v4, vm0, $0xb8;
	[tilespmem:$0x1C200] =	vst v63  }
0xdb: {  	s14 =	sld [smem:$0x7F8]  }
0xdc: {  	[tilespmem:s13], [sflag:$0x3] =	stream.indirect_vreg.gather [hbm4b:s4+s2], $0x80, v3, vm0, $0xb8;
	[tilespmem:$0x1C200] =	vst v63  }
0xdd: {  	_ = 	snop  }
0xde: {  	[tilespmem:s14], [sflag:$0x3] =	stream.indirect_vreg.gather [hbm4b:s6+s2], $0x80, v3, vm0, $0xb8;
	[tilespmem:$0x1C200] =	vst v63  }
0xdf: {  	v3 =	vld [tilespmem:$0xB0];
	_ =	sdelay $0x4  }
0xe0: {  	v59 =	vshll.u32 v3, $0x2  }
0xe1: {  	v3 =	vand.u32 $0x7, v3;
	v4 =	vand.u32 $0xFFFFFFE0, v59  }
0xe2: {  	v3 =	vor.u32 v3, v4  }
0xe3: {  	v4 =	vperm.xlane v3, v0;
	_ =	sdelay $0x1  }
0xe4: {  	v4 =	vadd.s32 v1, v4;
	_ =	sdelay $0x1  }
0xe5: {  	s13 =	sld [smem:$0x7F9];
	v3 =	vperm.xlane v3, v2;
	_ =	sdelay $0x1  }
0xe6: {  	s14 =	sld [smem:$0x7FA];
	v3 =	vadd.s32 v1, v3  }
0xe7: {  	[tilespmem:s13], [sflag:$0x3] =	stream.indirect_vreg.gather [hbm4b:s4+s2], $0x80, v4, vm0, $0xb8;
	[tilespmem:$0x1C200] =	vst v63  }
0xe8: {  	s13 =	sld [smem:$0x7FB]  }
0xe9: {  	[tilespmem:s14], [sflag:$0x3] =	stream.indirect_vreg.gather [hbm4b:s6+s2], $0x80, v4, vm0, $0xb8;
	[tilespmem:$0x1C200] =	vst v63  }
0xea: {  	s14 =	sld [smem:$0x7FC]  }
0xeb: {  	[tilespmem:s13], [sflag:$0x3] =	stream.indirect_vreg.gather [hbm4b:s4+s2], $0x80, v3, vm0, $0xb8;
	[tilespmem:$0x1C200] =	vst v63  }
0xec: {  	_ = 	snop  }
0xed: {  	[tilespmem:s14], [sflag:$0x3] =	stream.indirect_vreg.gather [hbm4b:s6+s2], $0x80, v3, vm0, $0xb8;
	[tilespmem:$0x1C200] =	vst v63  }
0xee: {  	s14 =	simm.s32 $0x80  }
0xef: {  	[tilespmem:s30], [sflag:$0x7] =	stream.indirect.gather [hbm4b:s5+s14], $0x80, s15, s14, $0xb8;
	[tilespmem:$0x1C200] =	vst v63  }
0xf0: {  	_ =	swait.ge [sflag:s31], $0x4000  }
0xf1: {  	[sflag:s31] =	ssyncset.done $0x0  }
0xf2: {  	s13 =	rddreg [dreg:$0x6];
	[sflag:s31] =	ssyncadd.s32 $0xFFFFC000  }
0xf3: {  	[hbm4b:s13+s2] =	stream.linear.scatter [tilespmem:s30], [sflag:$0x8], $0x4000, $0x38;
	[tilespmem:$0x1C200] =	vst v63  }
0xf4: {  	_ =	swait.ge [sflag:s8], $0x4000  }
0xf5: {  	s13 =	sld [smem:$0x7FD]  }
0xf6: {  	[sflag:s8] =	ssyncset.done $0x0  }
0xf7: {  	[sflag:s8] =	ssyncadd.s32 $0xFFFFC000  }
0xf8: {  	[tilespmem:s30], [sflag:$0x7] =	stream.indirect.gather [hbm4b:s5+s14], $0x80, s13, s14, $0xb8;
	[tilespmem:$0x1C200] =	vst v63  }
0xf9: {  	_ =	swait.ge [sflag:s31], $0x4000  }
0xfa: {  	[sflag:s31] =	ssyncset.done $0x0  }
0xfb: {  	s14 =	rddreg [dreg:$0x7];
	[sflag:s31] =	ssyncadd.s32 $0xFFFFC000  }
0xfc: {  	[hbm4b:s14+s2] =	stream.linear.scatter [tilespmem:s30], [sflag:$0x8], $0x4000, $0x38;
	[tilespmem:$0x1C200] =	vst v63  }
0xfd: {  	_ =	swait.ge [sflag:s8], $0x4000  }
0xfe: {  	[sflag:s8] =	ssyncset.done $0x0  }
0xff: {  	[sflag:s8] =	ssyncadd.s32 $0xFFFFC000  }
0x100: {  	_ =	swait.ge [sflag:s1], $0x8000  }
0x101: {  	s14 =	sld [smem:$0x7F3]  }
0x102: {  	[sflag:s1] =	ssyncset.done $0x0  }
0x103: {  	[sflag:s1] =	ssyncadd.s32 $0xFFFF8000  }
0x104: {  	[hbm4b:s14+s2] =	stream.linear.scatter [tilespmem:s10], [sflag:$0x4], $0x8000, $0x38;
	[tilespmem:$0x1C200] =	vst v63  }
0x105: {  	_ =	swait.ge [sflag:s0], $0x8000  }
0x106: {  	[sflag:s0] =	ssyncset.done $0x0  }
0x107: {  	[sflag:s0] =	ssyncadd.s32 $0xFFFF8000  }
0x108: {  	v3 =	vld [tilespmem:$0xC0];
	_ =	sdelay $0x4  }
0x109: {  	v60 =	vshll.u32 v3, $0x2  }
0x10a: {  	v3 =	vand.u32 $0x7, v3;
	v4 =	vand.u32 $0xFFFFFFE0, v60  }
0x10b: {  	v3 =	vor.u32 v3, v4  }
0x10c: {  	v4 =	vperm.xlane v3, v0;
	_ =	sdelay $0x1  }
0x10d: {  	v4 =	vadd.s32 v1, v4;
	_ =	sdelay $0x1  }
0x10e: {  	v3 =	vperm.xlane v3, v2;
	_ =	sdelay $0x1  }
0x10f: {  	v3 =	vadd.s32 v1, v3  }
0x110: {  	[tilespmem:s10], [sflag:$0x1] =	stream.indirect_vreg.gather [hbm4b:s4+s2], $0x80, v4, vm0, $0xb8;
	[tilespmem:$0x1C200] =	vst v63  }
0x111: {  	_ = 	snop  }
0x112: {  	[tilespmem:s16], [sflag:$0x1] =	stream.indirect_vreg.gather [hbm4b:s6+s2], $0x80, v4, vm0, $0xb8;
	[tilespmem:$0x1C200] =	vst v63  }
0x113: {  	_ = 	snop  }
0x114: {  	[tilespmem:s17], [sflag:$0x1] =	stream.indirect_vreg.gather [hbm4b:s4+s2], $0x80, v3, vm0, $0xb8;
	[tilespmem:$0x1C200] =	vst v63  }
0x115: {  	_ = 	snop  }
0x116: {  	[tilespmem:s18], [sflag:$0x1] =	stream.indirect_vreg.gather [hbm4b:s6+s2], $0x80, v3, vm0, $0xb8;
	[tilespmem:$0x1C200] =	vst v63  }
0x117: {  	v3 =	vld [tilespmem:$0xD0];
	_ =	sdelay $0x4  }
0x118: {  	v61 =	vshll.u32 v3, $0x2  }
0x119: {  	v3 =	vand.u32 $0x7, v3;
	v4 =	vand.u32 $0xFFFFFFE0, v61  }
0x11a: {  	v3 =	vor.u32 v3, v4  }
0x11b: {  	v4 =	vperm.xlane v3, v0;
	_ =	sdelay $0x1  }
0x11c: {  	v4 =	vadd.s32 v1, v4;
	_ =	sdelay $0x1  }
0x11d: {  	v3 =	vperm.xlane v3, v2;
	_ =	sdelay $0x1  }
0x11e: {  	v3 =	vadd.s32 v1, v3  }
0x11f: {  	[tilespmem:s19], [sflag:$0x1] =	stream.indirect_vreg.gather [hbm4b:s4+s2], $0x80, v4, vm0, $0xb8;
	[tilespmem:$0x1C200] =	vst v63  }
0x120: {  	_ = 	snop  }
0x121: {  	[tilespmem:s20], [sflag:$0x1] =	stream.indirect_vreg.gather [hbm4b:s6+s2], $0x80, v4, vm0, $0xb8;
	[tilespmem:$0x1C200] =	vst v63  }
0x122: {  	_ = 	snop  }
0x123: {  	[tilespmem:s21], [sflag:$0x1] =	stream.indirect_vreg.gather [hbm4b:s4+s2], $0x80, v3, vm0, $0xb8;
	[tilespmem:$0x1C200] =	vst v63  }
0x124: {  	_ = 	snop  }
0x125: {  	[tilespmem:s22], [sflag:$0x1] =	stream.indirect_vreg.gather [hbm4b:s6+s2], $0x80, v3, vm0, $0xb8;
	[tilespmem:$0x1C200] =	vst v63  }
0x126: {  	v3 =	vld [tilespmem:$0xE0];
	_ =	sdelay $0x4  }
0x127: {  	v62 =	vshll.u32 v3, $0x2  }
0x128: {  	v3 =	vand.u32 $0x7, v3;
	v4 =	vand.u32 $0xFFFFFFE0, v62  }
0x129: {  	v3 =	vor.u32 v3, v4  }
0x12a: {  	v4 =	vperm.xlane v3, v0;
	_ =	sdelay $0x1  }
0x12b: {  	v4 =	vadd.s32 v1, v4;
	_ =	sdelay $0x1  }
0x12c: {  	v3 =	vperm.xlane v3, v2;
	_ =	sdelay $0x1  }
0x12d: {  	v3 =	vadd.s32 v1, v3  }
0x12e: {  	[tilespmem:s23], [sflag:$0x1] =	stream.indirect_vreg.gather [hbm4b:s4+s2], $0x80, v4, vm0, $0xb8;
	[tilespmem:$0x1C200] =	vst v63  }
0x12f: {  	_ = 	snop  }
0x130: {  	[tilespmem:s24], [sflag:$0x1] =	stream.indirect_vreg.gather [hbm4b:s6+s2], $0x80, v4, vm0, $0xb8;
	[tilespmem:$0x1C200] =	vst v63  }
0x131: {  	_ = 	snop  }
0x132: {  	[tilespmem:s25], [sflag:$0x1] =	stream.indirect_vreg.gather [hbm4b:s4+s2], $0x80, v3, vm0, $0xb8;
	[tilespmem:$0x1C200] =	vst v63  }
0x133: {  	_ = 	snop  }
0x134: {  	[tilespmem:s26], [sflag:$0x1] =	stream.indirect_vreg.gather [hbm4b:s6+s2], $0x80, v3, vm0, $0xb8;
	[tilespmem:$0x1C200] =	vst v63  }
0x135: {  	v3 =	vld [tilespmem:$0xF0];
	_ =	sdelay $0x4  }
0x136: {  	v63 =	vshll.u32 v3, $0x2  }
0x137: {  	v3 =	vand.u32 $0x7, v3;
	v4 =	vand.u32 $0xFFFFFFE0, v63  }
0x138: {  	v3 =	vor.u32 v3, v4  }
0x139: {  	v4 =	vperm.xlane v3, v0;
	_ =	sdelay $0x1  }
0x13a: {  	v4 =	vadd.s32 v1, v4;
	_ =	sdelay $0x1  }
0x13b: {  	v3 =	vperm.xlane v3, v2;
	_ =	sdelay $0x1  }
0x13c: {  	v3 =	vadd.s32 v1, v3  }
0x13d: {  	[tilespmem:s28], [sflag:$0x1] =	stream.indirect_vreg.gather [hbm4b:s4+s2], $0x80, v4, vm0, $0xb8;
	[tilespmem:$0x1C200] =	vst v63  }
0x13e: {  	_ = 	snop  }
0x13f: {  	[tilespmem:s29], [sflag:$0x1] =	stream.indirect_vreg.gather [hbm4b:s6+s2], $0x80, v4, vm0, $0xb8;
	[tilespmem:$0x1C200] =	vst v63  }
0x140: {  	_ = 	snop  }
0x141: {  	[tilespmem:s3], [sflag:$0x1] =	stream.indirect_vreg.gather [hbm4b:s4+s2], $0x80, v3, vm0, $0xb8;
	[tilespmem:$0x1C200] =	vst v63  }
0x142: {  	s13 =	simm.s32 $0x2  }
0x143: {  	[tilespmem:s9], [sflag:$0x1] =	stream.indirect_vreg.gather [hbm4b:s6+s2], $0x80, v3, vm0, $0xb8;
	[tilespmem:$0x1C200] =	vst v63  }
0x144: {  	_ =	swait.ge [sflag:s13], $0x8000  }
0x145: {  	[sflag:s13] =	ssyncset.done $0x0  }
0x146: {  	s14 =	rddreg [dreg:$0x8];
	[sflag:s13] =	ssyncadd.s32 $0xFFFF8000;
	s13 =	simm.s32 $0x3  }
0x147: {  	[hbm4b:s14+s2] =	stream.linear.scatter [tilespmem:s11], [sflag:$0x5], $0x8000, $0x38;
	[tilespmem:$0x1C200] =	vst v63  }
0x148: {  	_ =	swait.ge [sflag:s13], $0x8000  }
0x149: {  	[sflag:s13] =	ssyncset.done $0x0  }
0x14a: {  	s14 =	rddreg [dreg:$0x9];
	[sflag:s13] =	ssyncadd.s32 $0xFFFF8000  }
0x14b: {  	[hbm4b:s14+s2] =	stream.linear.scatter [tilespmem:s12], [sflag:$0x6], $0x8000, $0x38;
	[tilespmem:$0x1C200] =	vst v63  }
0x14c: {  	_ =	swait.ge [sflag:s1], $0x8000  }
0x14d: {  	[sflag:s1] =	ssyncset.done $0x0  }
0x14e: {  	s13 =	simm.s32 $0x5;
	s3 =	rddreg [dreg:$0xa];
	[sflag:s1] =	ssyncadd.s32 $0xFFFF8000  }
0x14f: {  	[hbm4b:s3+s2] =	stream.linear.scatter [tilespmem:s10], [sflag:$0x4], $0x8000, $0x38;
	[tilespmem:$0x1C200] =	vst v63  }
0x150: {  	_ =	swait.ge [sflag:s13], $0x8000  }
0x151: {  	[sflag:s13] =	ssyncset.done $0x0  }
0x152: {  	s14 =	simm.s32 $0x6;
	[sflag:s13] =	ssyncadd.s32 $0xFFFF8000  }
0x153: {  	p0 =	sne.s32 s7, $0x1;
	_ =	swait.ge [sflag:s14], $0x8000  }
.Ltmp0:
0x154: {  	[sflag:s14] =	ssyncset.done $0x0;
	(pc) =	sbr.rel @p0 .LBB2_1-.Ltmp0, $4  }
0x155: {  	[sflag:s14] =	ssyncadd.s32 $0xFFFF8000  }
0x156: {  	_ =	swait.ge [sflag:s0], $0x8000  }
0x157: {  	[sflag:s0] =	ssyncset.done $0x0  }
0x158: {  	s7 =	sadd.s32 $0xFFFFFFFF, s7;
	[sflag:s0] =	ssyncadd.s32 $0xFFFF8000  }
0x159: {  	_ =	sfence.sel $0x180000  }
0x15a: {  	[bflag:$0x0] =	sbarrier.arrive $0xFFFF  }
0x15b: {  	_ =	strace $0x90000047  }
0x15c: {  	s0 =	stileid.u32;
	[bflag:$0x2] =	sbarrier.arrive $0xFFFF  }
0x15d: {  	p0 =	sne.s32 s0, $0x0;
	s0 =	rddreg [dreg:$0x3]  }
0x15e: {  	s0 =	sadd.s32 @!p0 $0x100000, s0  }
0x15f: {  	[sflag:s0] =	ssyncadd.tile.s32 @!p0 $0x1;
	_ =	shalt  }
.Lfunc_end2:
_tile_overlayer_lowered:
.L_overlay_start_2:
0x160: {  	(tag) =	ssettag $0x2  }
0x161: {  	s0 =	rddreg [dreg:$0x0];
	s2 =	stileid.u32  }
0x162: {  	s1 =	rddreg [dreg:$0x1];
	p0 =	sne.s32 s2, $0x0  }
0x163: {  	s3 =	rddreg [dreg:$0x2];
	[bflag:$0x3] =	sbarrier.arrive $0xFFFF;
	s2 =	simm.s32 @!p0 $0x1C08  }
0x164: {  	[timem:s3], [sflag:s2] =	dma.local @!p0 [hbm:s0], s1  }
0x165: {  	s0 =	simm.s32 @!p0 $0x8  }
0x166: {  	_ =	swait.ge @!p0 [sflag:s0], s1  }
0x167: {  	s1 =	ssub.s32 @!p0 $0x0, s1;
	[sflag:s0] =	ssyncset.done @!p0 $0x0  }
0x168: {  	[sflag:s0] =	ssyncadd.s32 @!p0 s1  }
0x169: {  	[bflag:$0x3] =	sbarrier.arrive $0xFFFF  }
0x16a: {  	_ =	shalt  }

</sc_bundles>
